<compile_context>
chip_gen: v7x
topology: tpu7x:2x2x1
jax: 0.10.2.dev20260603
libtpu: 0.0.44.dev20260713+nightly
codegen_flags: <defaults>
</compile_context>

<pallas_src>
import functools

import jax
import jax.numpy as jnp
from jax import lax
from jax.experimental import pallas as pl
from jax.experimental.pallas import tpu as pltpu
from jax.experimental.pallas import tpu_sc as plsc

_NUM_CODES = 8192
_NUM_HEADS = 4
_HEAD_DIM = 32
_COMMIT = 0.25

_BB = 512
_BK = 2048

_SVALS = (8192, 2048, 4096, 2048)

_SC_CORES = 2
_SC_SUBCORES = 16
_NW = _SC_CORES * _SC_SUBCORES


def _distance_argmin_kernel(xa_ref, x2_ref, ea_ref, e2_ref,
                            codes_ref, loss_ref):
    loss = jnp.zeros((_BB, 1), jnp.float32)
    iota_f = lax.broadcasted_iota(jnp.int32, (_BB, _BK), 1).astype(jnp.float32)
    for h in range(_NUM_HEADS):
        xb = xa_ref[:, h, :]
        x2 = x2_ref[:, h:h + 1]
        s_h = _SVALS[h]
        acc_m = acc_i = pick_m = None
        for g in range(_NUM_CODES // s_h):
            g_m = g_i = None
            for ci in range(s_h // _BK):
                c = g * (s_h // _BK) + ci
                eb = ea_ref[h, :, c * _BK:(c + 1) * _BK]
                dotm2 = lax.dot_general(
                    xb, eb, (((1,), (0,)), ((), ())),
                    preferred_element_type=jnp.float32)
                dist = (x2 + e2_ref[h, :, c * _BK:(c + 1) * _BK]) + dotm2
                m = jnp.min(dist, axis=1, keepdims=True)
                idxf = jnp.min(jnp.where(dist == m, iota_f, jnp.float32(_BK)),
                               axis=1, keepdims=True)
                idx = idxf.astype(jnp.int32) + c * _BK
                if g_m is None:
                    g_m, g_i = m, idx
                else:
                    gupd = m < g_m
                    g_i = jnp.where(gupd, idx, g_i)
                    g_m = jnp.minimum(g_m, m)
            if acc_m is None:
                acc_i, pick_m = g_i, g_m
                acc_m = g_m.astype(jnp.bfloat16).astype(jnp.float32)
            else:
                lt = g_m < acc_m
                acc_i = jnp.where(lt, g_i, acc_i)
                pick_m = jnp.where(lt, g_m, pick_m)
                acc_m = jnp.where(
                    lt, g_m.astype(jnp.bfloat16).astype(jnp.float32), acc_m)
        codes_ref[:, h:h + 1] = acc_i
        loss = loss + (_COMMIT / _HEAD_DIM) * pick_m
    loss_ref[...] = loss


def _distances_and_codes(xsplit, x2, ea, e2):
    b = xsplit.shape[0]
    return pl.pallas_call(
        _distance_argmin_kernel,
        grid=(b // _BB,),
        in_specs=[
            pl.BlockSpec((_BB, _NUM_HEADS, _HEAD_DIM), lambda i: (i, 0, 0)),
            pl.BlockSpec((_BB, _NUM_HEADS), lambda i: (i, 0)),
            pl.BlockSpec((_NUM_HEADS, _HEAD_DIM, _NUM_CODES),
                         lambda i: (0, 0, 0)),
            pl.BlockSpec((_NUM_HEADS, 1, _NUM_CODES), lambda i: (0, 0, 0)),
        ],
        out_specs=[
            pl.BlockSpec((_BB, _NUM_HEADS), lambda i: (i, 0)),
            pl.BlockSpec((_BB, 1), lambda i: (i, 0)),
        ],
        out_shape=[
            jax.ShapeDtypeStruct((b, _NUM_HEADS), jnp.int32),
            jax.ShapeDtypeStruct((b, 1), jnp.float32),
        ],
        compiler_params=pltpu.CompilerParams(
            dimension_semantics=("parallel",)),
    )(xsplit, x2, ea, e2)


_GCHUNK = 128


def _sc_gather(table, idx2d, b):
    nrows = idx2d.shape[0]
    cpw = nrows // _NW
    mesh = plsc.VectorSubcoreMesh(core_axis_name="c", subcore_axis_name="s")

    @functools.partial(
        pl.kernel, mesh=mesh,
        out_type=jax.ShapeDtypeStruct((nrows * _GCHUNK, 128), jnp.float32),
        scratch_types=[
            pltpu.VMEM((cpw, _GCHUNK), jnp.int32),
            pltpu.VMEM((_GCHUNK, 128), jnp.float32),
            pltpu.SemaphoreType.DMA,
        ],
    )
    def gather_kernel(table_hbm, idx_hbm, out_hbm, idx_v, rows_v, sem):
        wid = lax.axis_index("s") * _SC_CORES + lax.axis_index("c")
        base = wid * cpw
        pltpu.sync_copy(idx_hbm.at[pl.ds(base, cpw)], idx_v)

        @pl.loop(0, cpw)
        def _(c):
            pltpu.async_copy(table_hbm.at[idx_v.at[c]], rows_v, sem).wait()
            pltpu.sync_copy(
                rows_v, out_hbm.at[pl.ds((base + c) * _GCHUNK, _GCHUNK)])

    return gather_kernel(table, idx2d)


def kernel(inputs, emb0, emb1, emb2, emb3):
    b = inputs.shape[0]
    embs = [emb0, emb1, emb2, emb3]
    xsplit = inputs.reshape(b, _NUM_HEADS, _HEAD_DIM).astype(jnp.bfloat16)
    x2 = jnp.stack(
        [jnp.sum(inputs[:, h * _HEAD_DIM:(h + 1) * _HEAD_DIM] ** 2, axis=1)
         for h in range(_NUM_HEADS)], axis=1)
    ea = jnp.stack([(-2.0 * e.T).astype(jnp.bfloat16) for e in embs],
                   axis=0)
    e2 = jnp.stack([jnp.sum(e ** 2, axis=1)[None, :] for e in embs],
                   axis=0)
    codes, loss2d = _distances_and_codes(xsplit, x2, ea, e2)

    table = jnp.pad(jnp.concatenate(embs, axis=0),
                    ((0, 0), (0, 128 - _HEAD_DIM)))
    gidx = (codes
            + jnp.arange(_NUM_HEADS, dtype=jnp.int32)[None, :] * _NUM_CODES
            ).reshape(-1, _GCHUNK)
    rows = _sc_gather(table, gidx, b)
    quantized = rows[:, :_HEAD_DIM].reshape(b, _NUM_HEADS * _HEAD_DIM)
    return quantized, loss2d[:, 0], codes

# --- scband reference (transcript-rebuilt; emitter-appended) ---
"""Pipeline reference for scband-vector-quantizer-multi-head-77567109365982 (READ-ONLY COPY).

The authoritative reference and input builder live on the scoring server;
editing this copy changes nothing except your own understanding.
"""

import jax, jax.numpy as jnp
import numpy as np

NUM_EMBEDDINGS = 8192
EMBEDDING_DIM = 128
NUM_HEADS = 4
HEAD_DIM = EMBEDDING_DIM // NUM_HEADS
COMMITMENT_COST = 0.25
INIT_SCALE = 0.5


def setup_inputs(seed: int = 0) -> dict:
    key = jax.random.key(seed)
    ks = jax.random.split(key, 1 + NUM_HEADS)
    inputs = jax.random.normal(ks[0], (16384, EMBEDDING_DIM), dtype=jnp.float32)
    out = {"inputs": inputs}
    for h in range(NUM_HEADS):
        # embedding.weight.data.normal_(std=init_scale * init_decay_weight ** hix), decay=1.0
        out[f"emb{h}"] = jax.random.normal(ks[1 + h], (NUM_EMBEDDINGS, HEAD_DIM), dtype=jnp.float32) * INIT_SCALE
    return out


def reference(inputs, emb0, emb1, emb2, emb3):
    # Faithful multi-head VQ forward (eval path, hard argmin, no EMA update,
    # straight-through estimator, per-sample commitment loss).
    embeddings = [emb0, emb1, emb2, emb3]
    quantized_list = []
    vq_codes = []
    B = inputs.shape[0]
    loss = jnp.zeros((B,), dtype=inputs.dtype)
    for h in range(NUM_HEADS):
        this_input = inputs[:, h * HEAD_DIM:(h + 1) * HEAD_DIM]  # [B, d_h]
        e = embeddings[h]  # [K, d_h]
        # squared L2 distances: ||x||^2 + ||e||^2 - 2 x e^T
        distances = (
            jnp.sum(this_input ** 2, axis=1, keepdims=True)
            + jnp.sum(e ** 2, axis=1)[None, :]
            - 2.0 * this_input @ e.T
        )  # [B, K]
        indices = jnp.argmin(distances, axis=1)  # [B]
        vq_codes.append(indices)
        quantized_h = jnp.take(e, indices, axis=0)  # [B, d_h] gather
        quantized_list.append(quantized_h)
        # commitment loss per sample (e_latent_loss), quantized treated as constant
        e_latent = jnp.mean((jax.lax.stop_gradient(quantized_h) - this_input) ** 2, axis=1)
        loss = loss + COMMITMENT_COST * e_latent
    quantized = jnp.concatenate(quantized_list, axis=1)  # [B, D]
    # straight-through estimator
    quantized_st = inputs + jax.lax.stop_gradient(quantized - inputs)
    codes = jnp.stack(vq_codes, axis=1).astype(jnp.int32)  # [B, num_heads]
    return quantized_st, loss, codes

if __name__ == "__main__":
    import jax
    _d = setup_inputs()
    print(jax.jit(kernel)(*tuple(_d.values())))

</pallas_src>

<mosaic_0001>
#map = affine_map<(d0, d1) -> (0, 0)>
module attributes {stable_mosaic.version = 14 : i64} {
  func.func @gather_kernel(%arg0: i32, %arg1: i32, %arg2: memref<32768x128xf32, #tpu.memory_space<hbm>>, %arg3: memref<512x128xi32, #tpu.memory_space<hbm>>, %arg4: memref<65536x128xf32, #tpu.memory_space<hbm>>, %arg5: memref<16x128xi32, #tpu.memory_space<vmem>>, %arg6: memref<128x128xf32, #tpu.memory_space<vmem>>, %arg7: memref<!tpu.dma_semaphore, #tpu.memory_space<semaphore_mem>>) attributes {dimension_semantics = [#tpu.dimension_semantics<core_parallel>, #tpu.dimension_semantics<subcore_parallel>], iteration_bounds = array<i64: 2, 16>, scalar_prefetch = 0 : i64, scratch_operands = 3 : i64, tpu.core_type = #tpu.core_type<sc_vector_subcore>, window_params = [{transform_indices = #map}, {transform_indices = #map}, {transform_indices = #map}]} {
    %mul3A = arith.constant 2 : i32
    %mul3A_0 = arith.muli %arg1, %mul3A : i32
    %add3A = arith.addi %mul3A_0, %arg0 : i32
    %mul3A_1 = arith.constant 16 : i32
    %mul3A_2 = arith.muli %add3A, %mul3A_1 : i32
    "tpu.region"() ({
      %run_scoped3A = tpu.sem_alloc : memref<!tpu.dma_semaphore, #tpu.memory_space<semaphore_mem>>
      %dma_start3A = arith.constant 0 : i32
      %dma_start3A_7 = tpu.memref_slice %arg3[%mul3A_2, %dma_start3A] : memref<512x128xi32, #tpu.memory_space<hbm>> -> memref<16x128xi32, #tpu.memory_space<hbm>>
      %dma_start3A_8 = arith.constant 0 : i32
      %dma_start3A_9 = tpu.memref_slice %arg3[%mul3A_2, %dma_start3A_8] : memref<512x128xi32, #tpu.memory_space<hbm>> -> memref<16x128xi32, #tpu.memory_space<hbm>>
      tpu.enqueue_dma source(%dma_start3A_9 : memref<16x128xi32, #tpu.memory_space<hbm>>) target(%arg5 : memref<16x128xi32, #tpu.memory_space<vmem>>) target_semaphore(%run_scoped3A : memref<!tpu.dma_semaphore, #tpu.memory_space<semaphore_mem>>)
      %dma_wait3A = arith.constant 0 : i32
      %dma_wait3A_10 = tpu.memref_slice %arg3[%mul3A_2, %dma_wait3A] : memref<512x128xi32, #tpu.memory_space<hbm>> -> memref<16x128xi32, #tpu.memory_space<hbm>>
      %dma_wait3A_11 = arith.constant 0 : i32
      %dma_wait3A_12 = tpu.memref_slice %arg3[%mul3A_2, %dma_wait3A_11] : memref<512x128xi32, #tpu.memory_space<hbm>> -> memref<16x128xi32, #tpu.memory_space<hbm>>
      tpu.wait_dma2 semaphore(%run_scoped3A : memref<!tpu.dma_semaphore, #tpu.memory_space<semaphore_mem>>) src(%dma_wait3A_12 : memref<16x128xi32, #tpu.memory_space<hbm>>) dst(%arg5 : memref<16x128xi32, #tpu.memory_space<vmem>>)
      tpu.yield
    }) : () -> ()
    %scan3A = arith.constant 0 : i32
    %scan3A_3 = arith.constant 16 : i32
    %scan3A_4 = arith.addi %scan3A, %scan3A_3 : i32
    %scan3A_5 = arith.constant 1 : i32
    scf.for %scan3A_7 = %scan3A to %scan3A_4 step %scan3A_5  : i32 {
      %mul3A_8 = arith.constant 1 : i32
      %mul3A_9 = arith.muli %scan3A_7, %mul3A_8 : i32
      %add3A_10 = arith.constant 0 : i32
      %add3A_11 = arith.addi %add3A_10, %mul3A_9 : i32
      %dma_start3A = arith.constant 0 : i32
      %dma_start3A_12 = tpu.memref_slice %arg5[%add3A_11, %dma_start3A] : memref<16x128xi32, #tpu.memory_space<vmem>> -> memref<1x128xi32, #tpu.memory_space<vmem>>
      %dma_start3A_13 = tpu.memref_squeeze %dma_start3A_12 : memref<1x128xi32, #tpu.memory_space<vmem>> -> memref<128xi32, #tpu.memory_space<vmem>>
      %dma_start3A_14 = arith.constant 0 : i32
      %dma_start3A_15 = arith.constant 0 : i32
      %dma_start3A_16 = tpu.memref_slice %arg2[%dma_start3A_14, %dma_start3A_15] : memref<32768x128xf32, #tpu.memory_space<hbm>> -> memref<32768x128xf32, #tpu.memory_space<hbm>>
      tpu.enqueue_indirect_dma source(%dma_start3A_16 : memref<32768x128xf32, #tpu.memory_space<hbm>>) target(%arg6 : memref<128x128xf32, #tpu.memory_space<vmem>>) offsets(%dma_start3A_13 : memref<128xi32, #tpu.memory_space<vmem>>) semaphore(%arg7 : memref<!tpu.dma_semaphore, #tpu.memory_space<semaphore_mem>>)
      %dma_wait3A = arith.constant 0 : i32
      %dma_wait3A_17 = tpu.memref_slice %arg5[%add3A_11, %dma_wait3A] : memref<16x128xi32, #tpu.memory_space<vmem>> -> memref<1x128xi32, #tpu.memory_space<vmem>>
      %dma_wait3A_18 = tpu.memref_squeeze %dma_wait3A_17 : memref<1x128xi32, #tpu.memory_space<vmem>> -> memref<128xi32, #tpu.memory_space<vmem>>
      %dma_wait3A_19 = arith.constant 0 : i32
      %dma_wait3A_20 = arith.constant 0 : i32
      %dma_wait3A_21 = tpu.memref_slice %arg2[%dma_wait3A_19, %dma_wait3A_20] : memref<32768x128xf32, #tpu.memory_space<hbm>> -> memref<32768x128xf32, #tpu.memory_space<hbm>>
      tpu.wait_indirect_dma semaphore(%arg7 : memref<!tpu.dma_semaphore, #tpu.memory_space<semaphore_mem>>) src(%dma_wait3A_21 : memref<32768x128xf32, #tpu.memory_space<hbm>>) dst(%arg6 : memref<128x128xf32, #tpu.memory_space<vmem>>)
      %add3A_22 = arith.addi %mul3A_2, %add3A_11 : i32
      %mul3A_23 = arith.constant 128 : i32
      %mul3A_24 = arith.muli %add3A_22, %mul3A_23 : i32
      "tpu.region"() ({
        %run_scoped3A = tpu.sem_alloc : memref<!tpu.dma_semaphore, #tpu.memory_space<semaphore_mem>>
        %dma_start3A_25 = arith.constant 0 : i32
        %dma_start3A_26 = tpu.memref_slice %arg4[%mul3A_24, %dma_start3A_25] : memref<65536x128xf32, #tpu.memory_space<hbm>> -> memref<128x128xf32, #tpu.memory_space<hbm>>
        %dma_start3A_27 = arith.constant 0 : i32
        %dma_start3A_28 = tpu.memref_slice %arg4[%mul3A_24, %dma_start3A_27] : memref<65536x128xf32, #tpu.memory_space<hbm>> -> memref<128x128xf32, #tpu.memory_space<hbm>>
        tpu.enqueue_dma source(%arg6 : memref<128x128xf32, #tpu.memory_space<vmem>>) target(%dma_start3A_28 : memref<128x128xf32, #tpu.memory_space<hbm>>) target_semaphore(%run_scoped3A : memref<!tpu.dma_semaphore, #tpu.memory_space<semaphore_mem>>)
        %dma_wait3A_29 = arith.constant 0 : i32
        %dma_wait3A_30 = tpu.memref_slice %arg4[%mul3A_24, %dma_wait3A_29] : memref<65536x128xf32, #tpu.memory_space<hbm>> -> memref<128x128xf32, #tpu.memory_space<hbm>>
        %dma_wait3A_31 = arith.constant 0 : i32
        %dma_wait3A_32 = tpu.memref_slice %arg4[%mul3A_24, %dma_wait3A_31] : memref<65536x128xf32, #tpu.memory_space<hbm>> -> memref<128x128xf32, #tpu.memory_space<hbm>>
        tpu.wait_dma2 semaphore(%run_scoped3A : memref<!tpu.dma_semaphore, #tpu.memory_space<semaphore_mem>>) src(%arg6 : memref<128x128xf32, #tpu.memory_space<vmem>>) dst(%dma_wait3A_32 : memref<128x128xf32, #tpu.memory_space<hbm>>)
        tpu.yield
      }) : () -> ()
    }
    %scan3A_6 = arith.constant 16 : i32
    return
  }
}

module attributes {stable_mosaic.version = 14 : i64} {
  func.func @_distance_argmin_kernel(%arg0: i32, %arg1: memref<512x4x32xbf16, #tpu.memory_space<vmem>>, %arg2: memref<512x4xf32, #tpu.memory_space<vmem>>, %arg3: memref<4x32x8192xbf16, #tpu.memory_space<vmem>>, %arg4: memref<4x1x8192xf32, #tpu.memory_space<vmem>>, %arg5: memref<512x4xi32, #tpu.memory_space<vmem>>, %arg6: memref<512x1xf32, #tpu.memory_space<vmem>>) attributes {dimension_semantics = [#tpu.dimension_semantics<parallel>], iteration_bounds = array<i64: 32>, scalar_prefetch = 0 : i64, scratch_operands = 0 : i64, tpu.core_type = #tpu.core_type<tc>, window_params = [{transform_indices = @transform_0, window_bounds = array<i64: 512, 4, 32>}, {transform_indices = @transform_1, window_bounds = array<i64: 512, 4>}, {pipeline_mode = #tpu.pipeline_mode<synchronous>, transform_indices = @transform_2, window_bounds = array<i64: 4, 32, 8192>}, {pipeline_mode = #tpu.pipeline_mode<synchronous>, transform_indices = @transform_3, window_bounds = array<i64: 4, 1, 8192>}, {transform_indices = @transform_4, window_bounds = array<i64: 512, 4>}, {transform_indices = @transform_5, window_bounds = array<i64: 512, 1>}]} {
    %broadcast_in_dim3A = arith.constant 0.000000e+00 : f32
    %broadcast_in_dim3A_0 = vector.broadcast %broadcast_in_dim3A : f32 to vector<512x1xf32>
    %iota3A = tpu.iota {dimensions = array<i32: 1>} : vector<512x2048xi32>
    %convert_element_type3A = arith.sitofp %iota3A : vector<512x2048xi32> to vector<512x2048xf32>
    %get3A = arith.constant 0 : index
    %get3A_1 = arith.constant 0 : index
    %get3A_2 = arith.constant 0 : index
    %get3A_3 = vector.load %arg1[%get3A, %get3A_1, %get3A_2] : memref<512x4x32xbf16, #tpu.memory_space<vmem>>, vector<512x1x32xbf16>
    %get3A_4 = vector.shape_cast %get3A_3 : vector<512x1x32xbf16> to vector<512x32xbf16>
    %get3A_5 = arith.constant 0 : index
    %get3A_6 = arith.constant 0 : index
    %get3A_7 = vector.load %arg2[%get3A_5, %get3A_6] : memref<512x4xf32, #tpu.memory_space<vmem>>, vector<512x1xf32>
    %get3A_8 = arith.constant 0 : index
    %get3A_9 = arith.constant 0 : index
    %get3A_10 = arith.constant 0 : index
    %get3A_11 = vector.load %arg3[%get3A_8, %get3A_9, %get3A_10] : memref<4x32x8192xbf16, #tpu.memory_space<vmem>>, vector<1x32x2048xbf16>
    %get3A_12 = vector.shape_cast %get3A_11 : vector<1x32x2048xbf16> to vector<32x2048xbf16>
    %dot_general3A = arith.constant dense<0.000000e+00> : vector<512x2048xf32>
    %dot_general3A_13 = tpu.matmul %get3A_4, %get3A_12, %dot_general3A {dimension_numbers = #tpu.dot_dimension_numbers<[1], [0], [0], [1], [0, 0, 1, 1], [], []>, transpose_lhs_hint = false} : vector<512x32xbf16>, vector<32x2048xbf16>, vector<512x2048xf32> -> vector<512x2048xf32>
    %get3A_14 = arith.constant 0 : index
    %get3A_15 = arith.constant 0 : index
    %get3A_16 = arith.constant 0 : index
    %get3A_17 = vector.load %arg4[%get3A_14, %get3A_15, %get3A_16] : memref<4x1x8192xf32, #tpu.memory_space<vmem>>, vector<1x1x2048xf32>
    %get3A_18 = vector.shape_cast %get3A_17 : vector<1x1x2048xf32> to vector<1x2048xf32>
    %add3A = vector.broadcast %get3A_7 : vector<512x1xf32> to vector<512x2048xf32>
    %add3A_19 = vector.broadcast %get3A_18 : vector<1x2048xf32> to vector<512x2048xf32>
    %add3A_20 = arith.addf %add3A, %add3A_19 : vector<512x2048xf32>
    %add3A_21 = arith.addf %add3A_20, %dot_general3A_13 : vector<512x2048xf32>
    %reduce_min3A = arith.constant dense<0x7F800000> : vector<512xf32>
    %reduce_min3A_22 = vector.multi_reduction <minimumf>, %add3A_21, %reduce_min3A [1] : vector<512x2048xf32> to vector<512xf32>
    %broadcast_in_dim3A_23 = vector.shape_cast %reduce_min3A_22 : vector<512xf32> to vector<512x1xf32>
    %eq3A = vector.broadcast %broadcast_in_dim3A_23 : vector<512x1xf32> to vector<512x2048xf32>
    %eq3A_24 = arith.cmpf oeq, %add3A_21, %eq3A : vector<512x2048xf32>
    %jit3A = arith.constant 2.048000e+03 : f32
    %broadcast_in_dim3A_25 = vector.broadcast %jit3A : f32 to vector<512x2048xf32>
    %select_n3A = arith.select %eq3A_24, %convert_element_type3A, %broadcast_in_dim3A_25 : vector<512x2048xi1>, vector<512x2048xf32>
    %reduce_min3A_26 = arith.constant dense<0x7F800000> : vector<512xf32>
    %reduce_min3A_27 = vector.multi_reduction <minimumf>, %select_n3A, %reduce_min3A_26 [1] : vector<512x2048xf32> to vector<512xf32>
    %broadcast_in_dim3A_28 = vector.shape_cast %reduce_min3A_27 : vector<512xf32> to vector<512x1xf32>
    %convert_element_type3A_29 = arith.fptosi %broadcast_in_dim3A_28 : vector<512x1xf32> to vector<512x1xi32>
    %add3A_30 = arith.constant 0 : i32
    %add3A_31 = vector.broadcast %add3A_30 : i32 to vector<512x1xi32>
    %add3A_32 = arith.addi %convert_element_type3A_29, %add3A_31 : vector<512x1xi32>
    %get3A_33 = arith.constant 0 : index
    %get3A_34 = arith.constant 0 : index
    %get3A_35 = arith.constant 2048 : index
    %get3A_36 = vector.load %arg3[%get3A_33, %get3A_34, %get3A_35] : memref<4x32x8192xbf16, #tpu.memory_space<vmem>>, vector<1x32x2048xbf16>
    %get3A_37 = vector.shape_cast %get3A_36 : vector<1x32x2048xbf16> to vector<32x2048xbf16>
    %dot_general3A_38 = arith.constant dense<0.000000e+00> : vector<512x2048xf32>
    %dot_general3A_39 = tpu.matmul %get3A_4, %get3A_37, %dot_general3A_38 {dimension_numbers = #tpu.dot_dimension_numbers<[1], [0], [0], [1], [0, 0, 1, 1], [], []>, transpose_lhs_hint = false} : vector<512x32xbf16>, vector<32x2048xbf16>, vector<512x2048xf32> -> vector<512x2048xf32>
    %get3A_40 = arith.constant 0 : index
    %get3A_41 = arith.constant 0 : index
    %get3A_42 = arith.constant 2048 : index
    %get3A_43 = vector.load %arg4[%get3A_40, %get3A_41, %get3A_42] : memref<4x1x8192xf32, #tpu.memory_space<vmem>>, vector<1x1x2048xf32>
    %get3A_44 = vector.shape_cast %get3A_43 : vector<1x1x2048xf32> to vector<1x2048xf32>
    %add3A_45 = vector.broadcast %get3A_7 : vector<512x1xf32> to vector<512x2048xf32>
    %add3A_46 = vector.broadcast %get3A_44 : vector<1x2048xf32> to vector<512x2048xf32>
    %add3A_47 = arith.addf %add3A_45, %add3A_46 : vector<512x2048xf32>
    %add3A_48 = arith.addf %add3A_47, %dot_general3A_39 : vector<512x2048xf32>
    %reduce_min3A_49 = arith.constant dense<0x7F800000> : vector<512xf32>
    %reduce_min3A_50 = vector.multi_reduction <minimumf>, %add3A_48, %reduce_min3A_49 [1] : vector<512x2048xf32> to vector<512xf32>
    %broadcast_in_dim3A_51 = vector.shape_cast %reduce_min3A_50 : vector<512xf32> to vector<512x1xf32>
    %eq3A_52 = vector.broadcast %broadcast_in_dim3A_51 : vector<512x1xf32> to vector<512x2048xf32>
    %eq3A_53 = arith.cmpf oeq, %add3A_48, %eq3A_52 : vector<512x2048xf32>
    %jit3A_54 = arith.constant 2.048000e+03 : f32
    %broadcast_in_dim3A_55 = vector.broadcast %jit3A_54 : f32 to vector<512x2048xf32>
    %select_n3A_56 = arith.select %eq3A_53, %convert_element_type3A, %broadcast_in_dim3A_55 : vector<512x2048xi1>, vector<512x2048xf32>
    %reduce_min3A_57 = arith.constant dense<0x7F800000> : vector<512xf32>
    %reduce_min3A_58 = vector.multi_reduction <minimumf>, %select_n3A_56, %reduce_min3A_57 [1] : vector<512x2048xf32> to vector<512xf32>
    %broadcast_in_dim3A_59 = vector.shape_cast %reduce_min3A_58 : vector<512xf32> to vector<512x1xf32>
    %convert_element_type3A_60 = arith.fptosi %broadcast_in_dim3A_59 : vector<512x1xf32> to vector<512x1xi32>
    %add3A_61 = arith.constant 2048 : i32
    %add3A_62 = vector.broadcast %add3A_61 : i32 to vector<512x1xi32>
    %add3A_63 = arith.addi %convert_element_type3A_60, %add3A_62 : vector<512x1xi32>
    %lt3A = arith.cmpf olt, %broadcast_in_dim3A_51, %broadcast_in_dim3A_23 : vector<512x1xf32>
    %select_n3A_64 = arith.select %lt3A, %add3A_63, %add3A_32 : vector<512x1xi1>, vector<512x1xi32>
    %min3A = arith.minimumf %broadcast_in_dim3A_23, %broadcast_in_dim3A_51 : vector<512x1xf32>
    %get3A_65 = arith.constant 0 : index
    %get3A_66 = arith.constant 0 : index
    %get3A_67 = arith.constant 4096 : index
    %get3A_68 = vector.load %arg3[%get3A_65, %get3A_66, %get3A_67] : memref<4x32x8192xbf16, #tpu.memory_space<vmem>>, vector<1x32x2048xbf16>
    %get3A_69 = vector.shape_cast %get3A_68 : vector<1x32x2048xbf16> to vector<32x2048xbf16>
    %dot_general3A_70 = arith.constant dense<0.000000e+00> : vector<512x2048xf32>
    %dot_general3A_71 = tpu.matmul %get3A_4, %get3A_69, %dot_general3A_70 {dimension_numbers = #tpu.dot_dimension_numbers<[1], [0], [0], [1], [0, 0, 1, 1], [], []>, transpose_lhs_hint = false} : vector<512x32xbf16>, vector<32x2048xbf16>, vector<512x2048xf32> -> vector<512x2048xf32>
    %get3A_72 = arith.constant 0 : index
    %get3A_73 = arith.constant 0 : index
    %get3A_74 = arith.constant 4096 : index
    %get3A_75 = vector.load %arg4[%get3A_72, %get3A_73, %get3A_74] : memref<4x1x8192xf32, #tpu.memory_space<vmem>>, vector<1x1x2048xf32>
    %get3A_76 = vector.shape_cast %get3A_75 : vector<1x1x2048xf32> to vector<1x2048xf32>
    %add3A_77 = vector.broadcast %get3A_7 : vector<512x1xf32> to vector<512x2048xf32>
    %add3A_78 = vector.broadcast %get3A_76 : vector<1x2048xf32> to vector<512x2048xf32>
    %add3A_79 = arith.addf %add3A_77, %add3A_78 : vector<512x2048xf32>
    %add3A_80 = arith.addf %add3A_79, %dot_general3A_71 : vector<512x2048xf32>
    %reduce_min3A_81 = arith.constant dense<0x7F800000> : vector<512xf32>
    %reduce_min3A_82 = vector.multi_reduction <minimumf>, %add3A_80, %reduce_min3A_81 [1] : vector<512x2048xf32> to vector<512xf32>
    %broadcast_in_dim3A_83 = vector.shape_cast %reduce_min3A_82 : vector<512xf32> to vector<512x1xf32>
    %eq3A_84 = vector.broadcast %broadcast_in_dim3A_83 : vector<512x1xf32> to vector<512x2048xf32>
    %eq3A_85 = arith.cmpf oeq, %add3A_80, %eq3A_84 : vector<512x2048xf32>
    %jit3A_86 = arith.constant 2.048000e+03 : f32
    %broadcast_in_dim3A_87 = vector.broadcast %jit3A_86 : f32 to vector<512x2048xf32>
    %select_n3A_88 = arith.select %eq3A_85, %convert_element_type3A, %broadcast_in_dim3A_87 : vector<512x2048xi1>, vector<512x2048xf32>
    %reduce_min3A_89 = arith.constant dense<0x7F800000> : vector<512xf32>
    %reduce_min3A_90 = vector.multi_reduction <minimumf>, %select_n3A_88, %reduce_min3A_89 [1] : vector<512x2048xf32> to vector<512xf32>
    %broadcast_in_dim3A_91 = vector.shape_cast %reduce_min3A_90 : vector<512xf32> to vector<512x1xf32>
    %convert_element_type3A_92 = arith.fptosi %broadcast_in_dim3A_91 : vector<512x1xf32> to vector<512x1xi32>
    %add3A_93 = arith.constant 4096 : i32
    %add3A_94 = vector.broadcast %add3A_93 : i32 to vector<512x1xi32>
    %add3A_95 = arith.addi %convert_element_type3A_92, %add3A_94 : vector<512x1xi32>
    %lt3A_96 = arith.cmpf olt, %broadcast_in_dim3A_83, %min3A : vector<512x1xf32>
    %select_n3A_97 = arith.select %lt3A_96, %add3A_95, %select_n3A_64 : vector<512x1xi1>, vector<512x1xi32>
    %min3A_98 = arith.minimumf %min3A, %broadcast_in_dim3A_83 : vector<512x1xf32>
    %get3A_99 = arith.constant 0 : index
    %get3A_100 = arith.constant 0 : index
    %get3A_101 = arith.constant 6144 : index
    %get3A_102 = vector.load %arg3[%get3A_99, %get3A_100, %get3A_101] : memref<4x32x8192xbf16, #tpu.memory_space<vmem>>, vector<1x32x2048xbf16>
    %get3A_103 = vector.shape_cast %get3A_102 : vector<1x32x2048xbf16> to vector<32x2048xbf16>
    %dot_general3A_104 = arith.constant dense<0.000000e+00> : vector<512x2048xf32>
    %dot_general3A_105 = tpu.matmul %get3A_4, %get3A_103, %dot_general3A_104 {dimension_numbers = #tpu.dot_dimension_numbers<[1], [0], [0], [1], [0, 0, 1, 1], [], []>, transpose_lhs_hint = false} : vector<512x32xbf16>, vector<32x2048xbf16>, vector<512x2048xf32> -> vector<512x2048xf32>
    %get3A_106 = arith.constant 0 : index
    %get3A_107 = arith.constant 0 : index
    %get3A_108 = arith.constant 6144 : index
    %get3A_109 = vector.load %arg4[%get3A_106, %get3A_107, %get3A_108] : memref<4x1x8192xf32, #tpu.memory_space<vmem>>, vector<1x1x2048xf32>
    %get3A_110 = vector.shape_cast %get3A_109 : vector<1x1x2048xf32> to vector<1x2048xf32>
    %add3A_111 = vector.broadcast %get3A_7 : vector<512x1xf32> to vector<512x2048xf32>
    %add3A_112 = vector.broadcast %get3A_110 : vector<1x2048xf32> to vector<512x2048xf32>
    %add3A_113 = arith.addf %add3A_111, %add3A_112 : vector<512x2048xf32>
    %add3A_114 = arith.addf %add3A_113, %dot_general3A_105 : vector<512x2048xf32>
    %reduce_min3A_115 = arith.constant dense<0x7F800000> : vector<512xf32>
    %reduce_min3A_116 = vector.multi_reduction <minimumf>, %add3A_114, %reduce_min3A_115 [1] : vector<512x2048xf32> to vector<512xf32>
    %broadcast_in_dim3A_117 = vector.shape_cast %reduce_min3A_116 : vector<512xf32> to vector<512x1xf32>
    %eq3A_118 = vector.broadcast %broadcast_in_dim3A_117 : vector<512x1xf32> to vector<512x2048xf32>
    %eq3A_119 = arith.cmpf oeq, %add3A_114, %eq3A_118 : vector<512x2048xf32>
    %jit3A_120 = arith.constant 2.048000e+03 : f32
    %broadcast_in_dim3A_121 = vector.broadcast %jit3A_120 : f32 to vector<512x2048xf32>
    %select_n3A_122 = arith.select %eq3A_119, %convert_element_type3A, %broadcast_in_dim3A_121 : vector<512x2048xi1>, vector<512x2048xf32>
    %reduce_min3A_123 = arith.constant dense<0x7F800000> : vector<512xf32>
    %reduce_min3A_124 = vector.multi_reduction <minimumf>, %select_n3A_122, %reduce_min3A_123 [1] : vector<512x2048xf32> to vector<512xf32>
    %broadcast_in_dim3A_125 = vector.shape_cast %reduce_min3A_124 : vector<512xf32> to vector<512x1xf32>
    %convert_element_type3A_126 = arith.fptosi %broadcast_in_dim3A_125 : vector<512x1xf32> to vector<512x1xi32>
    %add3A_127 = arith.constant 6144 : i32
    %add3A_128 = vector.broadcast %add3A_127 : i32 to vector<512x1xi32>
    %add3A_129 = arith.addi %convert_element_type3A_126, %add3A_128 : vector<512x1xi32>
    %lt3A_130 = arith.cmpf olt, %broadcast_in_dim3A_117, %min3A_98 : vector<512x1xf32>
    %select_n3A_131 = arith.select %lt3A_130, %add3A_129, %select_n3A_97 : vector<512x1xi1>, vector<512x1xi32>
    %min3A_132 = arith.minimumf %min3A_98, %broadcast_in_dim3A_117 : vector<512x1xf32>
    %swap3A = arith.constant 0 : index
    %swap3A_133 = arith.constant 0 : index
    %swap3A_134 = vector.load %arg5[%swap3A, %swap3A_133] : memref<512x4xi32, #tpu.memory_space<vmem>>, vector<512x1xi32>
    tpu.vector_store %arg5[%swap3A, %swap3A_133], %select_n3A_131 {strides = array<i32>} : memref<512x4xi32, #tpu.memory_space<vmem>>, vector<512x1xi32>,
    %mul3A = arith.constant 7.812500e-03 : f32
    %mul3A_135 = vector.broadcast %mul3A : f32 to vector<512x1xf32>
    %mul3A_136 = arith.mulf %mul3A_135, %min3A_132 : vector<512x1xf32>
    %add3A_137 = arith.addf %broadcast_in_dim3A_0, %mul3A_136 : vector<512x1xf32>
    %get3A_138 = arith.constant 0 : index
    %get3A_139 = arith.constant 1 : index
    %get3A_140 = arith.constant 0 : index
    %get3A_141 = vector.load %arg1[%get3A_138, %get3A_139, %get3A_140] : memref<512x4x32xbf16, #tpu.memory_space<vmem>>, vector<512x1x32xbf16>
    %get3A_142 = vector.shape_cast %get3A_141 : vector<512x1x32xbf16> to vector<512x32xbf16>
    %get3A_143 = arith.constant 0 : index
    %get3A_144 = arith.constant 1 : index
    %get3A_145 = vector.load %arg2[%get3A_143, %get3A_144] : memref<512x4xf32, #tpu.memory_space<vmem>>, vector<512x1xf32>
    %get3A_146 = arith.constant 1 : index
    %get3A_147 = arith.constant 0 : index
    %get3A_148 = arith.constant 0 : index
    %get3A_149 = vector.load %arg3[%get3A_146, %get3A_147, %get3A_148] : memref<4x32x8192xbf16, #tpu.memory_space<vmem>>, vector<1x32x2048xbf16>
    %get3A_150 = vector.shape_cast %get3A_149 : vector<1x32x2048xbf16> to vector<32x2048xbf16>
    %dot_general3A_151 = arith.constant dense<0.000000e+00> : vector<512x2048xf32>
    %dot_general3A_152 = tpu.matmul %get3A_142, %get3A_150, %dot_general3A_151 {dimension_numbers = #tpu.dot_dimension_numbers<[1], [0], [0], [1], [0, 0, 1, 1], [], []>, transpose_lhs_hint = false} : vector<512x32xbf16>, vector<32x2048xbf16>, vector<512x2048xf32> -> vector<512x2048xf32>
    %get3A_153 = arith.constant 1 : index
    %get3A_154 = arith.constant 0 : index
    %get3A_155 = arith.constant 0 : index
    %get3A_156 = vector.load %arg4[%get3A_153, %get3A_154, %get3A_155] : memref<4x1x8192xf32, #tpu.memory_space<vmem>>, vector<1x1x2048xf32>
    %get3A_157 = vector.shape_cast %get3A_156 : vector<1x1x2048xf32> to vector<1x2048xf32>
    %add3A_158 = vector.broadcast %get3A_145 : vector<512x1xf32> to vector<512x2048xf32>
    %add3A_159 = vector.broadcast %get3A_157 : vector<1x2048xf32> to vector<512x2048xf32>
    %add3A_160 = arith.addf %add3A_158, %add3A_159 : vector<512x2048xf32>
    %add3A_161 = arith.addf %add3A_160, %dot_general3A_152 : vector<512x2048xf32>
    %reduce_min3A_162 = arith.constant dense<0x7F800000> : vector<512xf32>
    %reduce_min3A_163 = vector.multi_reduction <minimumf>, %add3A_161, %reduce_min3A_162 [1] : vector<512x2048xf32> to vector<512xf32>
    %broadcast_in_dim3A_164 = vector.shape_cast %reduce_min3A_163 : vector<512xf32> to vector<512x1xf32>
    %eq3A_165 = vector.broadcast %broadcast_in_dim3A_164 : vector<512x1xf32> to vector<512x2048xf32>
    %eq3A_166 = arith.cmpf oeq, %add3A_161, %eq3A_165 : vector<512x2048xf32>
    %jit3A_167 = arith.constant 2.048000e+03 : f32
    %broadcast_in_dim3A_168 = vector.broadcast %jit3A_167 : f32 to vector<512x2048xf32>
    %select_n3A_169 = arith.select %eq3A_166, %convert_element_type3A, %broadcast_in_dim3A_168 : vector<512x2048xi1>, vector<512x2048xf32>
    %reduce_min3A_170 = arith.constant dense<0x7F800000> : vector<512xf32>
    %reduce_min3A_171 = vector.multi_reduction <minimumf>, %select_n3A_169, %reduce_min3A_170 [1] : vector<512x2048xf32> to vector<512xf32>
    %broadcast_in_dim3A_172 = vector.shape_cast %reduce_min3A_171 : vector<512xf32> to vector<512x1xf32>
    %convert_element_type3A_173 = arith.fptosi %broadcast_in_dim3A_172 : vector<512x1xf32> to vector<512x1xi32>
    %add3A_174 = arith.constant 0 : i32
    %add3A_175 = vector.broadcast %add3A_174 : i32 to vector<512x1xi32>
    %add3A_176 = arith.addi %convert_element_type3A_173, %add3A_175 : vector<512x1xi32>
    %convert_element_type3A_177 = arith.truncf %broadcast_in_dim3A_164 : vector<512x1xf32> to vector<512x1xbf16>
    %convert_element_type3A_178 = arith.extf %convert_element_type3A_177 : vector<512x1xbf16> to vector<512x1xf32>
    %get3A_179 = arith.constant 1 : index
    %get3A_180 = arith.constant 0 : index
    %get3A_181 = arith.constant 2048 : index
    %get3A_182 = vector.load %arg3[%get3A_179, %get3A_180, %get3A_181] : memref<4x32x8192xbf16, #tpu.memory_space<vmem>>, vector<1x32x2048xbf16>
    %get3A_183 = vector.shape_cast %get3A_182 : vector<1x32x2048xbf16> to vector<32x2048xbf16>
    %dot_general3A_184 = arith.constant dense<0.000000e+00> : vector<512x2048xf32>
    %dot_general3A_185 = tpu.matmul %get3A_142, %get3A_183, %dot_general3A_184 {dimension_numbers = #tpu.dot_dimension_numbers<[1], [0], [0], [1], [0, 0, 1, 1], [], []>, transpose_lhs_hint = false} : vector<512x32xbf16>, vector<32x2048xbf16>, vector<512x2048xf32> -> vector<512x2048xf32>
    %get3A_186 = arith.constant 1 : index
    %get3A_187 = arith.constant 0 : index
    %get3A_188 = arith.constant 2048 : index
    %get3A_189 = vector.load %arg4[%get3A_186, %get3A_187, %get3A_188] : memref<4x1x8192xf32, #tpu.memory_space<vmem>>, vector<1x1x2048xf32>
    %get3A_190 = vector.shape_cast %get3A_189 : vector<1x1x2048xf32> to vector<1x2048xf32>
    %add3A_191 = vector.broadcast %get3A_145 : vector<512x1xf32> to vector<512x2048xf32>
    %add3A_192 = vector.broadcast %get3A_190 : vector<1x2048xf32> to vector<512x2048xf32>
    %add3A_193 = arith.addf %add3A_191, %add3A_192 : vector<512x2048xf32>
    %add3A_194 = arith.addf %add3A_193, %dot_general3A_185 : vector<512x2048xf32>
    %reduce_min3A_195 = arith.constant dense<0x7F800000> : vector<512xf32>
    %reduce_min3A_196 = vector.multi_reduction <minimumf>, %add3A_194, %reduce_min3A_195 [1] : vector<512x2048xf32> to vector<512xf32>
    %broadcast_in_dim3A_197 = vector.shape_cast %reduce_min3A_196 : vector<512xf32> to vector<512x1xf32>
    %eq3A_198 = vector.broadcast %broadcast_in_dim3A_197 : vector<512x1xf32> to vector<512x2048xf32>
    %eq3A_199 = arith.cmpf oeq, %add3A_194, %eq3A_198 : vector<512x2048xf32>
    %jit3A_200 = arith.constant 2.048000e+03 : f32
    %broadcast_in_dim3A_201 = vector.broadcast %jit3A_200 : f32 to vector<512x2048xf32>
    %select_n3A_202 = arith.select %eq3A_199, %convert_element_type3A, %broadcast_in_dim3A_201 : vector<512x2048xi1>, vector<512x2048xf32>
    %reduce_min3A_203 = arith.constant dense<0x7F800000> : vector<512xf32>
    %reduce_min3A_204 = vector.multi_reduction <minimumf>, %select_n3A_202, %reduce_min3A_203 [1] : vector<512x2048xf32> to vector<512xf32>
    %broadcast_in_dim3A_205 = vector.shape_cast %reduce_min3A_204 : vector<512xf32> to vector<512x1xf32>
    %convert_element_type3A_206 = arith.fptosi %broadcast_in_dim3A_205 : vector<512x1xf32> to vector<512x1xi32>
    %add3A_207 = arith.constant 2048 : i32
    %add3A_208 = vector.broadcast %add3A_207 : i32 to vector<512x1xi32>
    %add3A_209 = arith.addi %convert_element_type3A_206, %add3A_208 : vector<512x1xi32>
    %lt3A_210 = arith.cmpf olt, %broadcast_in_dim3A_197, %convert_element_type3A_178 : vector<512x1xf32>
    %select_n3A_211 = arith.select %lt3A_210, %add3A_209, %add3A_176 : vector<512x1xi1>, vector<512x1xi32>
    %select_n3A_212 = arith.select %lt3A_210, %broadcast_in_dim3A_197, %broadcast_in_dim3A_164 : vector<512x1xi1>, vector<512x1xf32>
    %convert_element_type3A_213 = arith.truncf %broadcast_in_dim3A_197 : vector<512x1xf32> to vector<512x1xbf16>
    %convert_element_type3A_214 = arith.extf %convert_element_type3A_213 : vector<512x1xbf16> to vector<512x1xf32>
    %select_n3A_215 = arith.select %lt3A_210, %convert_element_type3A_214, %convert_element_type3A_178 : vector<512x1xi1>, vector<512x1xf32>
    %get3A_216 = arith.constant 1 : index
    %get3A_217 = arith.constant 0 : index
    %get3A_218 = arith.constant 4096 : index
    %get3A_219 = vector.load %arg3[%get3A_216, %get3A_217, %get3A_218] : memref<4x32x8192xbf16, #tpu.memory_space<vmem>>, vector<1x32x2048xbf16>
    %get3A_220 = vector.shape_cast %get3A_219 : vector<1x32x2048xbf16> to vector<32x2048xbf16>
    %dot_general3A_221 = arith.constant dense<0.000000e+00> : vector<512x2048xf32>
    %dot_general3A_222 = tpu.matmul %get3A_142, %get3A_220, %dot_general3A_221 {dimension_numbers = #tpu.dot_dimension_numbers<[1], [0], [0], [1], [0, 0, 1, 1], [], []>, transpose_lhs_hint = false} : vector<512x32xbf16>, vector<32x2048xbf16>, vector<512x2048xf32> -> vector<512x2048xf32>
    %get3A_223 = arith.constant 1 : index
    %get3A_224 = arith.constant 0 : index
    %get3A_225 = arith.constant 4096 : index
    %get3A_226 = vector.load %arg4[%get3A_223, %get3A_224, %get3A_225] : memref<4x1x8192xf32, #tpu.memory_space<vmem>>, vector<1x1x2048xf32>
    %get3A_227 = vector.shape_cast %get3A_226 : vector<1x1x2048xf32> to vector<1x2048xf32>
    %add3A_228 = vector.broadcast %get3A_145 : vector<512x1xf32> to vector<512x2048xf32>
    %add3A_229 = vector.broadcast %get3A_227 : vector<1x2048xf32> to vector<512x2048xf32>
    %add3A_230 = arith.addf %add3A_228, %add3A_229 : vector<512x2048xf32>
    %add3A_231 = arith.addf %add3A_230, %dot_general3A_222 : vector<512x2048xf32>
    %reduce_min3A_232 = arith.constant dense<0x7F800000> : vector<512xf32>
    %reduce_min3A_233 = vector.multi_reduction <minimumf>, %add3A_231, %reduce_min3A_232 [1] : vector<512x2048xf32> to vector<512xf32>
    %broadcast_in_dim3A_234 = vector.shape_cast %reduce_min3A_233 : vector<512xf32> to vector<512x1xf32>
    %eq3A_235 = vector.broadcast %broadcast_in_dim3A_234 : vector<512x1xf32> to vector<512x2048xf32>
    %eq3A_236 = arith.cmpf oeq, %add3A_231, %eq3A_235 : vector<512x2048xf32>
    %jit3A_237 = arith.constant 2.048000e+03 : f32
    %broadcast_in_dim3A_238 = vector.broadcast %jit3A_237 : f32 to vector<512x2048xf32>
    %select_n3A_239 = arith.select %eq3A_236, %convert_element_type3A, %broadcast_in_dim3A_238 : vector<512x2048xi1>, vector<512x2048xf32>
    %reduce_min3A_240 = arith.constant dense<0x7F800000> : vector<512xf32>
    %reduce_min3A_241 = vector.multi_reduction <minimumf>, %select_n3A_239, %reduce_min3A_240 [1] : vector<512x2048xf32> to vector<512xf32>
    %broadcast_in_dim3A_242 = vector.shape_cast %reduce_min3A_241 : vector<512xf32> to vector<512x1xf32>
    %convert_element_type3A_243 = arith.fptosi %broadcast_in_dim3A_242 : vector<512x1xf32> to vector<512x1xi32>
    %add3A_244 = arith.constant 4096 : i32
    %add3A_245 = vector.broadcast %add3A_244 : i32 to vector<512x1xi32>
    %add3A_246 = arith.addi %convert_element_type3A_243, %add3A_245 : vector<512x1xi32>
    %lt3A_247 = arith.cmpf olt, %broadcast_in_dim3A_234, %select_n3A_215 : vector<512x1xf32>
    %select_n3A_248 = arith.select %lt3A_247, %add3A_246, %select_n3A_211 : vector<512x1xi1>, vector<512x1xi32>
    %select_n3A_249 = arith.select %lt3A_247, %broadcast_in_dim3A_234, %select_n3A_212 : vector<512x1xi1>, vector<512x1xf32>
    %convert_element_type3A_250 = arith.truncf %broadcast_in_dim3A_234 : vector<512x1xf32> to vector<512x1xbf16>
    %convert_element_type3A_251 = arith.extf %convert_element_type3A_250 : vector<512x1xbf16> to vector<512x1xf32>
    %select_n3A_252 = arith.select %lt3A_247, %convert_element_type3A_251, %select_n3A_215 : vector<512x1xi1>, vector<512x1xf32>
    %get3A_253 = arith.constant 1 : index
    %get3A_254 = arith.constant 0 : index
    %get3A_255 = arith.constant 6144 : index
    %get3A_256 = vector.load %arg3[%get3A_253, %get3A_254, %get3A_255] : memref<4x32x8192xbf16, #tpu.memory_space<vmem>>, vector<1x32x2048xbf16>
    %get3A_257 = vector.shape_cast %get3A_256 : vector<1x32x2048xbf16> to vector<32x2048xbf16>
    %dot_general3A_258 = arith.constant dense<0.000000e+00> : vector<512x2048xf32>
    %dot_general3A_259 = tpu.matmul %get3A_142, %get3A_257, %dot_general3A_258 {dimension_numbers = #tpu.dot_dimension_numbers<[1], [0], [0], [1], [0, 0, 1, 1], [], []>, transpose_lhs_hint = false} : vector<512x32xbf16>, vector<32x2048xbf16>, vector<512x2048xf32> -> vector<512x2048xf32>
    %get3A_260 = arith.constant 1 : index
    %get3A_261 = arith.constant 0 : index
    %get3A_262 = arith.constant 6144 : index
    %get3A_263 = vector.load %arg4[%get3A_260, %get3A_261, %get3A_262] : memref<4x1x8192xf32, #tpu.memory_space<vmem>>, vector<1x1x2048xf32>
    %get3A_264 = vector.shape_cast %get3A_263 : vector<1x1x2048xf32> to vector<1x2048xf32>
    %add3A_265 = vector.broadcast %get3A_145 : vector<512x1xf32> to vector<512x2048xf32>
    %add3A_266 = vector.broadcast %get3A_264 : vector<1x2048xf32> to vector<512x2048xf32>
    %add3A_267 = arith.addf %add3A_265, %add3A_266 : vector<512x2048xf32>
    %add3A_268 = arith.addf %add3A_267, %dot_general3A_259 : vector<512x2048xf32>
    %reduce_min3A_269 = arith.constant dense<0x7F800000> : vector<512xf32>
    %reduce_min3A_270 = vector.multi_reduction <minimumf>, %add3A_268, %reduce_min3A_269 [1] : vector<512x2048xf32> to vector<512xf32>
    %broadcast_in_dim3A_271 = vector.shape_cast %reduce_min3A_270 : vector<512xf32> to vector<512x1xf32>
    %eq3A_272 = vector.broadcast %broadcast_in_dim3A_271 : vector<512x1xf32> to vector<512x2048xf32>
    %eq3A_273 = arith.cmpf oeq, %add3A_268, %eq3A_272 : vector<512x2048xf32>
    %jit3A_274 = arith.constant 2.048000e+03 : f32
    %broadcast_in_dim3A_275 = vector.broadcast %jit3A_274 : f32 to vector<512x2048xf32>
    %select_n3A_276 = arith.select %eq3A_273, %convert_element_type3A, %broadcast_in_dim3A_275 : vector<512x2048xi1>, vector<512x2048xf32>
    %reduce_min3A_277 = arith.constant dense<0x7F800000> : vector<512xf32>
    %reduce_min3A_278 = vector.multi_reduction <minimumf>, %select_n3A_276, %reduce_min3A_277 [1] : vector<512x2048xf32> to vector<512xf32>
    %broadcast_in_dim3A_279 = vector.shape_cast %reduce_min3A_278 : vector<512xf32> to vector<512x1xf32>
    %convert_element_type3A_280 = arith.fptosi %broadcast_in_dim3A_279 : vector<512x1xf32> to vector<512x1xi32>
    %add3A_281 = arith.constant 6144 : i32
    %add3A_282 = vector.broadcast %add3A_281 : i32 to vector<512x1xi32>
    %add3A_283 = arith.addi %convert_element_type3A_280, %add3A_282 : vector<512x1xi32>
    %lt3A_284 = arith.cmpf olt, %broadcast_in_dim3A_271, %select_n3A_252 : vector<512x1xf32>
    %select_n3A_285 = arith.select %lt3A_284, %add3A_283, %select_n3A_248 : vector<512x1xi1>, vector<512x1xi32>
    %select_n3A_286 = arith.select %lt3A_284, %broadcast_in_dim3A_271, %select_n3A_249 : vector<512x1xi1>, vector<512x1xf32>
    %swap3A_287 = arith.constant 0 : index
    %swap3A_288 = arith.constant 1 : index
    %swap3A_289 = vector.load %arg5[%swap3A_287, %swap3A_288] : memref<512x4xi32, #tpu.memory_space<vmem>>, vector<512x1xi32>
    tpu.vector_store %arg5[%swap3A_287, %swap3A_288], %select_n3A_285 {strides = array<i32>} : memref<512x4xi32, #tpu.memory_space<vmem>>, vector<512x1xi32>,
    %mul3A_290 = arith.constant 7.812500e-03 : f32
    %mul3A_291 = vector.broadcast %mul3A_290 : f32 to vector<512x1xf32>
    %mul3A_292 = arith.mulf %mul3A_291, %select_n3A_286 : vector<512x1xf32>
    %add3A_293 = arith.addf %add3A_137, %mul3A_292 : vector<512x1xf32>
    %get3A_294 = arith.constant 0 : index
    %get3A_295 = arith.constant 2 : index
    %get3A_296 = arith.constant 0 : index
    %get3A_297 = vector.load %arg1[%get3A_294, %get3A_295, %get3A_296] : memref<512x4x32xbf16, #tpu.memory_space<vmem>>, vector<512x1x32xbf16>
    %get3A_298 = vector.shape_cast %get3A_297 : vector<512x1x32xbf16> to vector<512x32xbf16>
    %get3A_299 = arith.constant 0 : index
    %get3A_300 = arith.constant 2 : index
    %get3A_301 = vector.load %arg2[%get3A_299, %get3A_300] : memref<512x4xf32, #tpu.memory_space<vmem>>, vector<512x1xf32>
    %get3A_302 = arith.constant 2 : index
    %get3A_303 = arith.constant 0 : index
    %get3A_304 = arith.constant 0 : index
    %get3A_305 = vector.load %arg3[%get3A_302, %get3A_303, %get3A_304] : memref<4x32x8192xbf16, #tpu.memory_space<vmem>>, vector<1x32x2048xbf16>
    %get3A_306 = vector.shape_cast %get3A_305 : vector<1x32x2048xbf16> to vector<32x2048xbf16>
    %dot_general3A_307 = arith.constant dense<0.000000e+00> : vector<512x2048xf32>
    %dot_general3A_308 = tpu.matmul %get3A_298, %get3A_306, %dot_general3A_307 {dimension_numbers = #tpu.dot_dimension_numbers<[1], [0], [0], [1], [0, 0, 1, 1], [], []>, transpose_lhs_hint = false} : vector<512x32xbf16>, vector<32x2048xbf16>, vector<512x2048xf32> -> vector<512x2048xf32>
    %get3A_309 = arith.constant 2 : index
    %get3A_310 = arith.constant 0 : index
    %get3A_311 = arith.constant 0 : index
    %get3A_312 = vector.load %arg4[%get3A_309, %get3A_310, %get3A_311] : memref<4x1x8192xf32, #tpu.memory_space<vmem>>, vector<1x1x2048xf32>
    %get3A_313 = vector.shape_cast %get3A_312 : vector<1x1x2048xf32> to vector<1x2048xf32>
    %add3A_314 = vector.broadcast %get3A_301 : vector<512x1xf32> to vector<512x2048xf32>
    %add3A_315 = vector.broadcast %get3A_313 : vector<1x2048xf32> to vector<512x2048xf32>
    %add3A_316 = arith.addf %add3A_314, %add3A_315 : vector<512x2048xf32>
    %add3A_317 = arith.addf %add3A_316, %dot_general3A_308 : vector<512x2048xf32>
    %reduce_min3A_318 = arith.constant dense<0x7F800000> : vector<512xf32>
    %reduce_min3A_319 = vector.multi_reduction <minimumf>, %add3A_317, %reduce_min3A_318 [1] : vector<512x2048xf32> to vector<512xf32>
    %broadcast_in_dim3A_320 = vector.shape_cast %reduce_min3A_319 : vector<512xf32> to vector<512x1xf32>
    %eq3A_321 = vector.broadcast %broadcast_in_dim3A_320 : vector<512x1xf32> to vector<512x2048xf32>
    %eq3A_322 = arith.cmpf oeq, %add3A_317, %eq3A_321 : vector<512x2048xf32>
    %jit3A_323 = arith.constant 2.048000e+03 : f32
    %broadcast_in_dim3A_324 = vector.broadcast %jit3A_323 : f32 to vector<512x2048xf32>
    %select_n3A_325 = arith.select %eq3A_322, %convert_element_type3A, %broadcast_in_dim3A_324 : vector<512x2048xi1>, vector<512x2048xf32>
    %reduce_min3A_326 = arith.constant dense<0x7F800000> : vector<512xf32>
    %reduce_min3A_327 = vector.multi_reduction <minimumf>, %select_n3A_325, %reduce_min3A_326 [1] : vector<512x2048xf32> to vector<512xf32>
    %broadcast_in_dim3A_328 = vector.shape_cast %reduce_min3A_327 : vector<512xf32> to vector<512x1xf32>
    %convert_element_type3A_329 = arith.fptosi %broadcast_in_dim3A_328 : vector<512x1xf32> to vector<512x1xi32>
    %add3A_330 = arith.constant 0 : i32
    %add3A_331 = vector.broadcast %add3A_330 : i32 to vector<512x1xi32>
    %add3A_332 = arith.addi %convert_element_type3A_329, %add3A_331 : vector<512x1xi32>
    %get3A_333 = arith.constant 2 : index
    %get3A_334 = arith.constant 0 : index
    %get3A_335 = arith.constant 2048 : index
    %get3A_336 = vector.load %arg3[%get3A_333, %get3A_334, %get3A_335] : memref<4x32x8192xbf16, #tpu.memory_space<vmem>>, vector<1x32x2048xbf16>
    %get3A_337 = vector.shape_cast %get3A_336 : vector<1x32x2048xbf16> to vector<32x2048xbf16>
    %dot_general3A_338 = arith.constant dense<0.000000e+00> : vector<512x2048xf32>
    %dot_general3A_339 = tpu.matmul %get3A_298, %get3A_337, %dot_general3A_338 {dimension_numbers = #tpu.dot_dimension_numbers<[1], [0], [0], [1], [0, 0, 1, 1], [], []>, transpose_lhs_hint = false} : vector<512x32xbf16>, vector<32x2048xbf16>, vector<512x2048xf32> -> vector<512x2048xf32>
    %get3A_340 = arith.constant 2 : index
    %get3A_341 = arith.constant 0 : index
    %get3A_342 = arith.constant 2048 : index
    %get3A_343 = vector.load %arg4[%get3A_340, %get3A_341, %get3A_342] : memref<4x1x8192xf32, #tpu.memory_space<vmem>>, vector<1x1x2048xf32>
    %get3A_344 = vector.shape_cast %get3A_343 : vector<1x1x2048xf32> to vector<1x2048xf32>
    %add3A_345 = vector.broadcast %get3A_301 : vector<512x1xf32> to vector<512x2048xf32>
    %add3A_346 = vector.broadcast %get3A_344 : vector<1x2048xf32> to vector<512x2048xf32>
    %add3A_347 = arith.addf %add3A_345, %add3A_346 : vector<512x2048xf32>
    %add3A_348 = arith.addf %add3A_347, %dot_general3A_339 : vector<512x2048xf32>
    %reduce_min3A_349 = arith.constant dense<0x7F800000> : vector<512xf32>
    %reduce_min3A_350 = vector.multi_reduction <minimumf>, %add3A_348, %reduce_min3A_349 [1] : vector<512x2048xf32> to vector<512xf32>
    %broadcast_in_dim3A_351 = vector.shape_cast %reduce_min3A_350 : vector<512xf32> to vector<512x1xf32>
    %eq3A_352 = vector.broadcast %broadcast_in_dim3A_351 : vector<512x1xf32> to vector<512x2048xf32>
    %eq3A_353 = arith.cmpf oeq, %add3A_348, %eq3A_352 : vector<512x2048xf32>
    %jit3A_354 = arith.constant 2.048000e+03 : f32
    %broadcast_in_dim3A_355 = vector.broadcast %jit3A_354 : f32 to vector<512x2048xf32>
    %select_n3A_356 = arith.select %eq3A_353, %convert_element_type3A, %broadcast_in_dim3A_355 : vector<512x2048xi1>, vector<512x2048xf32>
    %reduce_min3A_357 = arith.constant dense<0x7F800000> : vector<512xf32>
    %reduce_min3A_358 = vector.multi_reduction <minimumf>, %select_n3A_356, %reduce_min3A_357 [1] : vector<512x2048xf32> to vector<512xf32>
    %broadcast_in_dim3A_359 = vector.shape_cast %reduce_min3A_358 : vector<512xf32> to vector<512x1xf32>
    %convert_element_type3A_360 = arith.fptosi %broadcast_in_dim3A_359 : vector<512x1xf32> to vector<512x1xi32>
    %add3A_361 = arith.constant 2048 : i32
    %add3A_362 = vector.broadcast %add3A_361 : i32 to vector<512x1xi32>
    %add3A_363 = arith.addi %convert_element_type3A_360, %add3A_362 : vector<512x1xi32>
    %lt3A_364 = arith.cmpf olt, %broadcast_in_dim3A_351, %broadcast_in_dim3A_320 : vector<512x1xf32>
    %select_n3A_365 = arith.select %lt3A_364, %add3A_363, %add3A_332 : vector<512x1xi1>, vector<512x1xi32>
    %min3A_366 = arith.minimumf %broadcast_in_dim3A_320, %broadcast_in_dim3A_351 : vector<512x1xf32>
    %convert_element_type3A_367 = arith.truncf %min3A_366 : vector<512x1xf32> to vector<512x1xbf16>
    %convert_element_type3A_368 = arith.extf %convert_element_type3A_367 : vector<512x1xbf16> to vector<512x1xf32>
    %get3A_369 = arith.constant 2 : index
    %get3A_370 = arith.constant 0 : index
    %get3A_371 = arith.constant 4096 : index
    %get3A_372 = vector.load %arg3[%get3A_369, %get3A_370, %get3A_371] : memref<4x32x8192xbf16, #tpu.memory_space<vmem>>, vector<1x32x2048xbf16>
    %get3A_373 = vector.shape_cast %get3A_372 : vector<1x32x2048xbf16> to vector<32x2048xbf16>
    %dot_general3A_374 = arith.constant dense<0.000000e+00> : vector<512x2048xf32>
    %dot_general3A_375 = tpu.matmul %get3A_298, %get3A_373, %dot_general3A_374 {dimension_numbers = #tpu.dot_dimension_numbers<[1], [0], [0], [1], [0, 0, 1, 1], [], []>, transpose_lhs_hint = false} : vector<512x32xbf16>, vector<32x2048xbf16>, vector<512x2048xf32> -> vector<512x2048xf32>
    %get3A_376 = arith.constant 2 : index
    %get3A_377 = arith.constant 0 : index
    %get3A_378 = arith.constant 4096 : index
    %get3A_379 = vector.load %arg4[%get3A_376, %get3A_377, %get3A_378] : memref<4x1x8192xf32, #tpu.memory_space<vmem>>, vector<1x1x2048xf32>
    %get3A_380 = vector.shape_cast %get3A_379 : vector<1x1x2048xf32> to vector<1x2048xf32>
    %add3A_381 = vector.broadcast %get3A_301 : vector<512x1xf32> to vector<512x2048xf32>
    %add3A_382 = vector.broadcast %get3A_380 : vector<1x2048xf32> to vector<512x2048xf32>
    %add3A_383 = arith.addf %add3A_381, %add3A_382 : vector<512x2048xf32>
    %add3A_384 = arith.addf %add3A_383, %dot_general3A_375 : vector<512x2048xf32>
    %reduce_min3A_385 = arith.constant dense<0x7F800000> : vector<512xf32>
    %reduce_min3A_386 = vector.multi_reduction <minimumf>, %add3A_384, %reduce_min3A_385 [1] : vector<512x2048xf32> to vector<512xf32>
    %broadcast_in_dim3A_387 = vector.shape_cast %reduce_min3A_386 : vector<512xf32> to vector<512x1xf32>
    %eq3A_388 = vector.broadcast %broadcast_in_dim3A_387 : vector<512x1xf32> to vector<512x2048xf32>
    %eq3A_389 = arith.cmpf oeq, %add3A_384, %eq3A_388 : vector<512x2048xf32>
    %jit3A_390 = arith.constant 2.048000e+03 : f32
    %broadcast_in_dim3A_391 = vector.broadcast %jit3A_390 : f32 to vector<512x2048xf32>
    %select_n3A_392 = arith.select %eq3A_389, %convert_element_type3A, %broadcast_in_dim3A_391 : vector<512x2048xi1>, vector<512x2048xf32>
    %reduce_min3A_393 = arith.constant dense<0x7F800000> : vector<512xf32>
    %reduce_min3A_394 = vector.multi_reduction <minimumf>, %select_n3A_392, %reduce_min3A_393 [1] : vector<512x2048xf32> to vector<512xf32>
    %broadcast_in_dim3A_395 = vector.shape_cast %reduce_min3A_394 : vector<512xf32> to vector<512x1xf32>
    %convert_element_type3A_396 = arith.fptosi %broadcast_in_dim3A_395 : vector<512x1xf32> to vector<512x1xi32>
    %add3A_397 = arith.constant 4096 : i32
    %add3A_398 = vector.broadcast %add3A_397 : i32 to vector<512x1xi32>
    %add3A_399 = arith.addi %convert_element_type3A_396, %add3A_398 : vector<512x1xi32>
    %get3A_400 = arith.constant 2 : index
    %get3A_401 = arith.constant 0 : index
    %get3A_402 = arith.constant 6144 : index
    %get3A_403 = vector.load %arg3[%get3A_400, %get3A_401, %get3A_402] : memref<4x32x8192xbf16, #tpu.memory_space<vmem>>, vector<1x32x2048xbf16>
    %get3A_404 = vector.shape_cast %get3A_403 : vector<1x32x2048xbf16> to vector<32x2048xbf16>
    %dot_general3A_405 = arith.constant dense<0.000000e+00> : vector<512x2048xf32>
    %dot_general3A_406 = tpu.matmul %get3A_298, %get3A_404, %dot_general3A_405 {dimension_numbers = #tpu.dot_dimension_numbers<[1], [0], [0], [1], [0, 0, 1, 1], [], []>, transpose_lhs_hint = false} : vector<512x32xbf16>, vector<32x2048xbf16>, vector<512x2048xf32> -> vector<512x2048xf32>
    %get3A_407 = arith.constant 2 : index
    %get3A_408 = arith.constant 0 : index
    %get3A_409 = arith.constant 6144 : index
    %get3A_410 = vector.load %arg4[%get3A_407, %get3A_408, %get3A_409] : memref<4x1x8192xf32, #tpu.memory_space<vmem>>, vector<1x1x2048xf32>
    %get3A_411 = vector.shape_cast %get3A_410 : vector<1x1x2048xf32> to vector<1x2048xf32>
    %add3A_412 = vector.broadcast %get3A_301 : vector<512x1xf32> to vector<512x2048xf32>
    %add3A_413 = vector.broadcast %get3A_411 : vector<1x2048xf32> to vector<512x2048xf32>
    %add3A_414 = arith.addf %add3A_412, %add3A_413 : vector<512x2048xf32>
    %add3A_415 = arith.addf %add3A_414, %dot_general3A_406 : vector<512x2048xf32>
    %reduce_min3A_416 = arith.constant dense<0x7F800000> : vector<512xf32>
    %reduce_min3A_417 = vector.multi_reduction <minimumf>, %add3A_415, %reduce_min3A_416 [1] : vector<512x2048xf32> to vector<512xf32>
    %broadcast_in_dim3A_418 = vector.shape_cast %reduce_min3A_417 : vector<512xf32> to vector<512x1xf32>
    %eq3A_419 = vector.broadcast %broadcast_in_dim3A_418 : vector<512x1xf32> to vector<512x2048xf32>
    %eq3A_420 = arith.cmpf oeq, %add3A_415, %eq3A_419 : vector<512x2048xf32>
    %jit3A_421 = arith.constant 2.048000e+03 : f32
    %broadcast_in_dim3A_422 = vector.broadcast %jit3A_421 : f32 to vector<512x2048xf32>
    %select_n3A_423 = arith.select %eq3A_420, %convert_element_type3A, %broadcast_in_dim3A_422 : vector<512x2048xi1>, vector<512x2048xf32>
    %reduce_min3A_424 = arith.constant dense<0x7F800000> : vector<512xf32>
    %reduce_min3A_425 = vector.multi_reduction <minimumf>, %select_n3A_423, %reduce_min3A_424 [1] : vector<512x2048xf32> to vector<512xf32>
    %broadcast_in_dim3A_426 = vector.shape_cast %reduce_min3A_425 : vector<512xf32> to vector<512x1xf32>
    %convert_element_type3A_427 = arith.fptosi %broadcast_in_dim3A_426 : vector<512x1xf32> to vector<512x1xi32>
    %add3A_428 = arith.constant 6144 : i32
    %add3A_429 = vector.broadcast %add3A_428 : i32 to vector<512x1xi32>
    %add3A_430 = arith.addi %convert_element_type3A_427, %add3A_429 : vector<512x1xi32>
    %lt3A_431 = arith.cmpf olt, %broadcast_in_dim3A_418, %broadcast_in_dim3A_387 : vector<512x1xf32>
    %select_n3A_432 = arith.select %lt3A_431, %add3A_430, %add3A_399 : vector<512x1xi1>, vector<512x1xi32>
    %min3A_433 = arith.minimumf %broadcast_in_dim3A_387, %broadcast_in_dim3A_418 : vector<512x1xf32>
    %lt3A_434 = arith.cmpf olt, %min3A_433, %convert_element_type3A_368 : vector<512x1xf32>
    %select_n3A_435 = arith.select %lt3A_434, %select_n3A_432, %select_n3A_365 : vector<512x1xi1>, vector<512x1xi32>
    %select_n3A_436 = arith.select %lt3A_434, %min3A_433, %min3A_366 : vector<512x1xi1>, vector<512x1xf32>
    %swap3A_437 = arith.constant 0 : index
    %swap3A_438 = arith.constant 2 : index
    %swap3A_439 = vector.load %arg5[%swap3A_437, %swap3A_438] : memref<512x4xi32, #tpu.memory_space<vmem>>, vector<512x1xi32>
    tpu.vector_store %arg5[%swap3A_437, %swap3A_438], %select_n3A_435 {strides = array<i32>} : memref<512x4xi32, #tpu.memory_space<vmem>>, vector<512x1xi32>,
    %mul3A_440 = arith.constant 7.812500e-03 : f32
    %mul3A_441 = vector.broadcast %mul3A_440 : f32 to vector<512x1xf32>
    %mul3A_442 = arith.mulf %mul3A_441, %select_n3A_436 : vector<512x1xf32>
    %add3A_443 = arith.addf %add3A_293, %mul3A_442 : vector<512x1xf32>
    %get3A_444 = arith.constant 0 : index
    %get3A_445 = arith.constant 3 : index
    %get3A_446 = arith.constant 0 : index
    %get3A_447 = vector.load %arg1[%get3A_444, %get3A_445, %get3A_446] : memref<512x4x32xbf16, #tpu.memory_space<vmem>>, vector<512x1x32xbf16>
    %get3A_448 = vector.shape_cast %get3A_447 : vector<512x1x32xbf16> to vector<512x32xbf16>
    %get3A_449 = arith.constant 0 : index
    %get3A_450 = arith.constant 3 : index
    %get3A_451 = vector.load %arg2[%get3A_449, %get3A_450] : memref<512x4xf32, #tpu.memory_space<vmem>>, vector<512x1xf32>
    %get3A_452 = arith.constant 3 : index
    %get3A_453 = arith.constant 0 : index
    %get3A_454 = arith.constant 0 : index
    %get3A_455 = vector.load %arg3[%get3A_452, %get3A_453, %get3A_454] : memref<4x32x8192xbf16, #tpu.memory_space<vmem>>, vector<1x32x2048xbf16>
    %get3A_456 = vector.shape_cast %get3A_455 : vector<1x32x2048xbf16> to vector<32x2048xbf16>
    %dot_general3A_457 = arith.constant dense<0.000000e+00> : vector<512x2048xf32>
    %dot_general3A_458 = tpu.matmul %get3A_448, %get3A_456, %dot_general3A_457 {dimension_numbers = #tpu.dot_dimension_numbers<[1], [0], [0], [1], [0, 0, 1, 1], [], []>, transpose_lhs_hint = false} : vector<512x32xbf16>, vector<32x2048xbf16>, vector<512x2048xf32> -> vector<512x2048xf32>
    %get3A_459 = arith.constant 3 : index
    %get3A_460 = arith.constant 0 : index
    %get3A_461 = arith.constant 0 : index
    %get3A_462 = vector.load %arg4[%get3A_459, %get3A_460, %get3A_461] : memref<4x1x8192xf32, #tpu.memory_space<vmem>>, vector<1x1x2048xf32>
    %get3A_463 = vector.shape_cast %get3A_462 : vector<1x1x2048xf32> to vector<1x2048xf32>
    %add3A_464 = vector.broadcast %get3A_451 : vector<512x1xf32> to vector<512x2048xf32>
    %add3A_465 = vector.broadcast %get3A_463 : vector<1x2048xf32> to vector<512x2048xf32>
    %add3A_466 = arith.addf %add3A_464, %add3A_465 : vector<512x2048xf32>
    %add3A_467 = arith.addf %add3A_466, %dot_general3A_458 : vector<512x2048xf32>
    %reduce_min3A_468 = arith.constant dense<0x7F800000> : vector<512xf32>
    %reduce_min3A_469 = vector.multi_reduction <minimumf>, %add3A_467, %reduce_min3A_468 [1] : vector<512x2048xf32> to vector<512xf32>
    %broadcast_in_dim3A_470 = vector.shape_cast %reduce_min3A_469 : vector<512xf32> to vector<512x1xf32>
    %eq3A_471 = vector.broadcast %broadcast_in_dim3A_470 : vector<512x1xf32> to vector<512x2048xf32>
    %eq3A_472 = arith.cmpf oeq, %add3A_467, %eq3A_471 : vector<512x2048xf32>
    %jit3A_473 = arith.constant 2.048000e+03 : f32
    %broadcast_in_dim3A_474 = vector.broadcast %jit3A_473 : f32 to vector<512x2048xf32>
    %select_n3A_475 = arith.select %eq3A_472, %convert_element_type3A, %broadcast_in_dim3A_474 : vector<512x2048xi1>, vector<512x2048xf32>
    %reduce_min3A_476 = arith.constant dense<0x7F800000> : vector<512xf32>
    %reduce_min3A_477 = vector.multi_reduction <minimumf>, %select_n3A_475, %reduce_min3A_476 [1] : vector<512x2048xf32> to vector<512xf32>
    %broadcast_in_dim3A_478 = vector.shape_cast %reduce_min3A_477 : vector<512xf32> to vector<512x1xf32>
    %convert_element_type3A_479 = arith.fptosi %broadcast_in_dim3A_478 : vector<512x1xf32> to vector<512x1xi32>
    %add3A_480 = arith.constant 0 : i32
    %add3A_481 = vector.broadcast %add3A_480 : i32 to vector<512x1xi32>
    %add3A_482 = arith.addi %convert_element_type3A_479, %add3A_481 : vector<512x1xi32>
    %convert_element_type3A_483 = arith.truncf %broadcast_in_dim3A_470 : vector<512x1xf32> to vector<512x1xbf16>
    %convert_element_type3A_484 = arith.extf %convert_element_type3A_483 : vector<512x1xbf16> to vector<512x1xf32>
    %get3A_485 = arith.constant 3 : index
    %get3A_486 = arith.constant 0 : index
    %get3A_487 = arith.constant 2048 : index
    %get3A_488 = vector.load %arg3[%get3A_485, %get3A_486, %get3A_487] : memref<4x32x8192xbf16, #tpu.memory_space<vmem>>, vector<1x32x2048xbf16>
    %get3A_489 = vector.shape_cast %get3A_488 : vector<1x32x2048xbf16> to vector<32x2048xbf16>
    %dot_general3A_490 = arith.constant dense<0.000000e+00> : vector<512x2048xf32>
    %dot_general3A_491 = tpu.matmul %get3A_448, %get3A_489, %dot_general3A_490 {dimension_numbers = #tpu.dot_dimension_numbers<[1], [0], [0], [1], [0, 0, 1, 1], [], []>, transpose_lhs_hint = false} : vector<512x32xbf16>, vector<32x2048xbf16>, vector<512x2048xf32> -> vector<512x2048xf32>
    %get3A_492 = arith.constant 3 : index
    %get3A_493 = arith.constant 0 : index
    %get3A_494 = arith.constant 2048 : index
    %get3A_495 = vector.load %arg4[%get3A_492, %get3A_493, %get3A_494] : memref<4x1x8192xf32, #tpu.memory_space<vmem>>, vector<1x1x2048xf32>
    %get3A_496 = vector.shape_cast %get3A_495 : vector<1x1x2048xf32> to vector<1x2048xf32>
    %add3A_497 = vector.broadcast %get3A_451 : vector<512x1xf32> to vector<512x2048xf32>
    %add3A_498 = vector.broadcast %get3A_496 : vector<1x2048xf32> to vector<512x2048xf32>
    %add3A_499 = arith.addf %add3A_497, %add3A_498 : vector<512x2048xf32>
    %add3A_500 = arith.addf %add3A_499, %dot_general3A_491 : vector<512x2048xf32>
    %reduce_min3A_501 = arith.constant dense<0x7F800000> : vector<512xf32>
    %reduce_min3A_502 = vector.multi_reduction <minimumf>, %add3A_500, %reduce_min3A_501 [1] : vector<512x2048xf32> to vector<512xf32>
    %broadcast_in_dim3A_503 = vector.shape_cast %reduce_min3A_502 : vector<512xf32> to vector<512x1xf32>
    %eq3A_504 = vector.broadcast %broadcast_in_dim3A_503 : vector<512x1xf32> to vector<512x2048xf32>
    %eq3A_505 = arith.cmpf oeq, %add3A_500, %eq3A_504 : vector<512x2048xf32>
    %jit3A_506 = arith.constant 2.048000e+03 : f32
    %broadcast_in_dim3A_507 = vector.broadcast %jit3A_506 : f32 to vector<512x2048xf32>
    %select_n3A_508 = arith.select %eq3A_505, %convert_element_type3A, %broadcast_in_dim3A_507 : vector<512x2048xi1>, vector<512x2048xf32>
    %reduce_min3A_509 = arith.constant dense<0x7F800000> : vector<512xf32>
    %reduce_min3A_510 = vector.multi_reduction <minimumf>, %select_n3A_508, %reduce_min3A_509 [1] : vector<512x2048xf32> to vector<512xf32>
    %broadcast_in_dim3A_511 = vector.shape_cast %reduce_min3A_510 : vector<512xf32> to vector<512x1xf32>
    %convert_element_type3A_512 = arith.fptosi %broadcast_in_dim3A_511 : vector<512x1xf32> to vector<512x1xi32>
    %add3A_513 = arith.constant 2048 : i32
    %add3A_514 = vector.broadcast %add3A_513 : i32 to vector<512x1xi32>
    %add3A_515 = arith.addi %convert_element_type3A_512, %add3A_514 : vector<512x1xi32>
    %lt3A_516 = arith.cmpf olt, %broadcast_in_dim3A_503, %convert_element_type3A_484 : vector<512x1xf32>
    %select_n3A_517 = arith.select %lt3A_516, %add3A_515, %add3A_482 : vector<512x1xi1>, vector<512x1xi32>
    %select_n3A_518 = arith.select %lt3A_516, %broadcast_in_dim3A_503, %broadcast_in_dim3A_470 : vector<512x1xi1>, vector<512x1xf32>
    %convert_element_type3A_519 = arith.truncf %broadcast_in_dim3A_503 : vector<512x1xf32> to vector<512x1xbf16>
    %convert_element_type3A_520 = arith.extf %convert_element_type3A_519 : vector<512x1xbf16> to vector<512x1xf32>
    %select_n3A_521 = arith.select %lt3A_516, %convert_element_type3A_520, %convert_element_type3A_484 : vector<512x1xi1>, vector<512x1xf32>
    %get3A_522 = arith.constant 3 : index
    %get3A_523 = arith.constant 0 : index
    %get3A_524 = arith.constant 4096 : index
    %get3A_525 = vector.load %arg3[%get3A_522, %get3A_523, %get3A_524] : memref<4x32x8192xbf16, #tpu.memory_space<vmem>>, vector<1x32x2048xbf16>
    %get3A_526 = vector.shape_cast %get3A_525 : vector<1x32x2048xbf16> to vector<32x2048xbf16>
    %dot_general3A_527 = arith.constant dense<0.000000e+00> : vector<512x2048xf32>
    %dot_general3A_528 = tpu.matmul %get3A_448, %get3A_526, %dot_general3A_527 {dimension_numbers = #tpu.dot_dimension_numbers<[1], [0], [0], [1], [0, 0, 1, 1], [], []>, transpose_lhs_hint = false} : vector<512x32xbf16>, vector<32x2048xbf16>, vector<512x2048xf32> -> vector<512x2048xf32>
    %get3A_529 = arith.constant 3 : index
    %get3A_530 = arith.constant 0 : index
    %get3A_531 = arith.constant 4096 : index
    %get3A_532 = vector.load %arg4[%get3A_529, %get3A_530, %get3A_531] : memref<4x1x8192xf32, #tpu.memory_space<vmem>>, vector<1x1x2048xf32>
    %get3A_533 = vector.shape_cast %get3A_532 : vector<1x1x2048xf32> to vector<1x2048xf32>
    %add3A_534 = vector.broadcast %get3A_451 : vector<512x1xf32> to vector<512x2048xf32>
    %add3A_535 = vector.broadcast %get3A_533 : vector<1x2048xf32> to vector<512x2048xf32>
    %add3A_536 = arith.addf %add3A_534, %add3A_535 : vector<512x2048xf32>
    %add3A_537 = arith.addf %add3A_536, %dot_general3A_528 : vector<512x2048xf32>
    %reduce_min3A_538 = arith.constant dense<0x7F800000> : vector<512xf32>
    %reduce_min3A_539 = vector.multi_reduction <minimumf>, %add3A_537, %reduce_min3A_538 [1] : vector<512x2048xf32> to vector<512xf32>
    %broadcast_in_dim3A_540 = vector.shape_cast %reduce_min3A_539 : vector<512xf32> to vector<512x1xf32>
    %eq3A_541 = vector.broadcast %broadcast_in_dim3A_540 : vector<512x1xf32> to vector<512x2048xf32>
    %eq3A_542 = arith.cmpf oeq, %add3A_537, %eq3A_541 : vector<512x2048xf32>
    %jit3A_543 = arith.constant 2.048000e+03 : f32
    %broadcast_in_dim3A_544 = vector.broadcast %jit3A_543 : f32 to vector<512x2048xf32>
    %select_n3A_545 = arith.select %eq3A_542, %convert_element_type3A, %broadcast_in_dim3A_544 : vector<512x2048xi1>, vector<512x2048xf32>
    %reduce_min3A_546 = arith.constant dense<0x7F800000> : vector<512xf32>
    %reduce_min3A_547 = vector.multi_reduction <minimumf>, %select_n3A_545, %reduce_min3A_546 [1] : vector<512x2048xf32> to vector<512xf32>
    %broadcast_in_dim3A_548 = vector.shape_cast %reduce_min3A_547 : vector<512xf32> to vector<512x1xf32>
    %convert_element_type3A_549 = arith.fptosi %broadcast_in_dim3A_548 : vector<512x1xf32> to vector<512x1xi32>
    %add3A_550 = arith.constant 4096 : i32
    %add3A_551 = vector.broadcast %add3A_550 : i32 to vector<512x1xi32>
    %add3A_552 = arith.addi %convert_element_type3A_549, %add3A_551 : vector<512x1xi32>
    %lt3A_553 = arith.cmpf olt, %broadcast_in_dim3A_540, %select_n3A_521 : vector<512x1xf32>
    %select_n3A_554 = arith.select %lt3A_553, %add3A_552, %select_n3A_517 : vector<512x1xi1>, vector<512x1xi32>
    %select_n3A_555 = arith.select %lt3A_553, %broadcast_in_dim3A_540, %select_n3A_518 : vector<512x1xi1>, vector<512x1xf32>
    %convert_element_type3A_556 = arith.truncf %broadcast_in_dim3A_540 : vector<512x1xf32> to vector<512x1xbf16>
    %convert_element_type3A_557 = arith.extf %convert_element_type3A_556 : vector<512x1xbf16> to vector<512x1xf32>
    %select_n3A_558 = arith.select %lt3A_553, %convert_element_type3A_557, %select_n3A_521 : vector<512x1xi1>, vector<512x1xf32>
    %get3A_559 = arith.constant 3 : index
    %get3A_560 = arith.constant 0 : index
    %get3A_561 = arith.constant 6144 : index
    %get3A_562 = vector.load %arg3[%get3A_559, %get3A_560, %get3A_561] : memref<4x32x8192xbf16, #tpu.memory_space<vmem>>, vector<1x32x2048xbf16>
    %get3A_563 = vector.shape_cast %get3A_562 : vector<1x32x2048xbf16> to vector<32x2048xbf16>
    %dot_general3A_564 = arith.constant dense<0.000000e+00> : vector<512x2048xf32>
    %dot_general3A_565 = tpu.matmul %get3A_448, %get3A_563, %dot_general3A_564 {dimension_numbers = #tpu.dot_dimension_numbers<[1], [0], [0], [1], [0, 0, 1, 1], [], []>, transpose_lhs_hint = false} : vector<512x32xbf16>, vector<32x2048xbf16>, vector<512x2048xf32> -> vector<512x2048xf32>
    %get3A_566 = arith.constant 3 : index
    %get3A_567 = arith.constant 0 : index
    %get3A_568 = arith.constant 6144 : index
    %get3A_569 = vector.load %arg4[%get3A_566, %get3A_567, %get3A_568] : memref<4x1x8192xf32, #tpu.memory_space<vmem>>, vector<1x1x2048xf32>
    %get3A_570 = vector.shape_cast %get3A_569 : vector<1x1x2048xf32> to vector<1x2048xf32>
    %add3A_571 = vector.broadcast %get3A_451 : vector<512x1xf32> to vector<512x2048xf32>
    %add3A_572 = vector.broadcast %get3A_570 : vector<1x2048xf32> to vector<512x2048xf32>
    %add3A_573 = arith.addf %add3A_571, %add3A_572 : vector<512x2048xf32>
    %add3A_574 = arith.addf %add3A_573, %dot_general3A_565 : vector<512x2048xf32>
    %reduce_min3A_575 = arith.constant dense<0x7F800000> : vector<512xf32>
    %reduce_min3A_576 = vector.multi_reduction <minimumf>, %add3A_574, %reduce_min3A_575 [1] : vector<512x2048xf32> to vector<512xf32>
    %broadcast_in_dim3A_577 = vector.shape_cast %reduce_min3A_576 : vector<512xf32> to vector<512x1xf32>
    %eq3A_578 = vector.broadcast %broadcast_in_dim3A_577 : vector<512x1xf32> to vector<512x2048xf32>
    %eq3A_579 = arith.cmpf oeq, %add3A_574, %eq3A_578 : vector<512x2048xf32>
    %jit3A_580 = arith.constant 2.048000e+03 : f32
    %broadcast_in_dim3A_581 = vector.broadcast %jit3A_580 : f32 to vector<512x2048xf32>
    %select_n3A_582 = arith.select %eq3A_579, %convert_element_type3A, %broadcast_in_dim3A_581 : vector<512x2048xi1>, vector<512x2048xf32>
    %reduce_min3A_583 = arith.constant dense<0x7F800000> : vector<512xf32>
    %reduce_min3A_584 = vector.multi_reduction <minimumf>, %select_n3A_582, %reduce_min3A_583 [1] : vector<512x2048xf32> to vector<512xf32>
    %broadcast_in_dim3A_585 = vector.shape_cast %reduce_min3A_584 : vector<512xf32> to vector<512x1xf32>
    %convert_element_type3A_586 = arith.fptosi %broadcast_in_dim3A_585 : vector<512x1xf32> to vector<512x1xi32>
    %add3A_587 = arith.constant 6144 : i32
    %add3A_588 = vector.broadcast %add3A_587 : i32 to vector<512x1xi32>
    %add3A_589 = arith.addi %convert_element_type3A_586, %add3A_588 : vector<512x1xi32>
    %lt3A_590 = arith.cmpf olt, %broadcast_in_dim3A_577, %select_n3A_558 : vector<512x1xf32>
    %select_n3A_591 = arith.select %lt3A_590, %add3A_589, %select_n3A_554 : vector<512x1xi1>, vector<512x1xi32>
    %select_n3A_592 = arith.select %lt3A_590, %broadcast_in_dim3A_577, %select_n3A_555 : vector<512x1xi1>, vector<512x1xf32>
    %swap3A_593 = arith.constant 0 : index
    %swap3A_594 = arith.constant 3 : index
    %swap3A_595 = vector.load %arg5[%swap3A_593, %swap3A_594] : memref<512x4xi32, #tpu.memory_space<vmem>>, vector<512x1xi32>
    tpu.vector_store %arg5[%swap3A_593, %swap3A_594], %select_n3A_591 {strides = array<i32>} : memref<512x4xi32, #tpu.memory_space<vmem>>, vector<512x1xi32>,
    %mul3A_596 = arith.constant 7.812500e-03 : f32
    %mul3A_597 = vector.broadcast %mul3A_596 : f32 to vector<512x1xf32>
    %mul3A_598 = arith.mulf %mul3A_597, %select_n3A_592 : vector<512x1xf32>
    %add3A_599 = arith.addf %add3A_443, %mul3A_598 : vector<512x1xf32>
    %swap3A_600 = arith.constant 0 : index
    %swap3A_601 = arith.constant 0 : index
    %swap3A_602 = vector.load %arg6[%swap3A_600, %swap3A_601] : memref<512x1xf32, #tpu.memory_space<vmem>>, vector<512x1xf32>
    tpu.vector_store %arg6[%swap3A_600, %swap3A_601], %add3A_599 {strides = array<i32>} : memref<512x1xf32, #tpu.memory_space<vmem>>, vector<512x1xf32>,
    return
  }
  func.func @transform_0(%arg0: i32) -> (i32, i32, i32) {
    %c0_i32 = arith.constant 0 : i32
    %c0_i32_0 = arith.constant 0 : i32
    %c0_i32_1 = arith.constant 0 : i32
    return %arg0, %c0_i32, %c0_i32_0 : i32, i32, i32
  }
  func.func @transform_1(%arg0: i32) -> (i32, i32) {
    %c0_i32 = arith.constant 0 : i32
    %c0_i32_0 = arith.constant 0 : i32
    return %arg0, %c0_i32 : i32, i32
  }
  func.func @transform_2(%arg0: i32) -> (i32, i32, i32) {
    %c0_i32 = arith.constant 0 : i32
    %c0_i32_0 = arith.constant 0 : i32
    %c0_i32_1 = arith.constant 0 : i32
    %c0_i32_2 = arith.constant 0 : i32
    return %c0_i32, %c0_i32_0, %c0_i32_1 : i32, i32, i32
  }
  func.func @transform_3(%arg0: i32) -> (i32, i32, i32) {
    %c0_i32 = arith.constant 0 : i32
    %c0_i32_0 = arith.constant 0 : i32
    %c0_i32_1 = arith.constant 0 : i32
    %c0_i32_2 = arith.constant 0 : i32
    return %c0_i32, %c0_i32_0, %c0_i32_1 : i32, i32, i32
  }
  func.func @transform_4(%arg0: i32) -> (i32, i32) {
    %c0_i32 = arith.constant 0 : i32
    %c0_i32_0 = arith.constant 0 : i32
    return %arg0, %c0_i32 : i32, i32
  }
  func.func @transform_5(%arg0: i32) -> (i32, i32) {
    %c0_i32 = arith.constant 0 : i32
    %c0_i32_0 = arith.constant 0 : i32
    return %arg0, %c0_i32 : i32, i32
  }
}

</mosaic_0001>

<sc_bundles>
// kernel: kernel.4.cloned.1.call-start
scs
__scs_entry_jumppad:
0x0: {  	(pc) =	sbr.rel $0x88, $3  }
0x1: {  	(tag) =	ssettag $0x0;
	lr =	simm.s32 $0x1  }
0x2: {  	[smem:$0x3F9C] =	sst lr;
	_ =	strace $0xD0000000  }
0x3: {  	_ = 	snop  }
0x4: {  	_ = 	snop  }
0x5: {  	_ = 	snop  }
0x6: {  	_ = 	snop  }
0x7: {  	_ = 	snop  }
__scs_overlays_trampoline_lowered:
0x8: {  	[smem:$0x3FAB] =	sst s0  }
0x9: {  	[smem:$0x3FAC] =	sst s1  }
0xa: {  	[smem:$0x3FAD] =	sst s2  }
0xb: {  	[smem:$0x3FAE] =	sst s3  }
0xc: {  	[smem:$0x3FAF] =	sst s4  }
0xd: {  	[smem:$0x3FB0] =	sst s5  }
0xe: {  	[smem:$0x3FB1] =	sst s6  }
0xf: {  	[smem:$0x3FB2] =	sst s7  }
0x10: {  	[smem:$0x3FB3] =	sst s8  }
0x11: {  	[smem:$0x3FB4] =	sst s9;
	s0 =	simm.s32 @!p0 $0x0  }
0x12: {  	s1 =	sld [smem:$0x3F9A];
	s0 =	simm.s32 @p0 $0x1  }
0x13: {  	[smem:$0x3FB5] =	sst s0;
	s0 =	simm.s32 @!p1 $0x0  }
0x14: {  	s2 =	sld [smem:$0x3F99];
	s0 =	simm.s32 @p1 $0x1  }
0x15: {  	[smem:$0x3FB6] =	sst s0;
	s0 =	simm.s32 @!p2 $0x0  }
0x16: {  	s3 =	sld [smem:$0x3FDB];
	s0 =	simm.s32 @p2 $0x1  }
0x17: {  	s4 =	simm.s32 $0x1BF5;
	[smem:$0x3FB8] =	sst s0  }
0x18: {  	s0 =	sld [smem:$0x3F9B];
	_ =	swait.ge [sflag:s4], $0x0  }
0x19: {  	s7 =	sld [smem:$0x3F9C]  }
0x1a: {  	s8 =	sadd.s32 $0xFFFFE003, lr  }
0x1b: {  	s9 =	sadd.s32 $0xFFFFFEF7, lr;
	s5 =	simm.s32 $0xFFFFFFFF;
	p2 =	slt.u32 s8, $0xFFFFF086  }
0x1c: {  	p1 =	slt.u32 s9, $0xF7A;
	s5 =	simm.s32 @!p2 $0x0  }
0x1d: {  	s5 =	simm.s32 @p1 $0x1;
	p0 =	seq.s32 s7, s2  }
0x1e: {  	s7 =	smul.u32 @!p0 $0xF7A, s2;
	p2 =	seq.s32 @!p0 s5, $0x0  }
0x1f: {  	s9 =	smul.u32 $0xF7A, s1;
	s8 =	simm.s32 @!p0 $0x1BF5;
	p2 =	por !p2, p0  }
0x20: {  	[sflag:s8] =	ssyncset.s32 @!p0 $0xFFFFF086;
	s6 =	sadd.s32 @!p0 s3, s7;
	s7 =	simm.s32 @!p0 $0x108  }
0x21: {  	s3 =	sadd.s32 s3, s9;
	s6 =	sadd.s32 @!p0 $0x88, s6;
	s7 =	simm.s32 @p2 $0x1082  }
0x22: {  	[simem:s7], [sflag:s8] =	dma.local @!p0 [hbm:s6], $0xF7A  }
0x23: {  	s9 =	sor.u32 $0xD0000000, s2;
	s6 =	simm.s32 $0x108;
	_ =	swait.ge @!p0 [sflag:s8], $0x0  }
0x24: {  	s3 =	sadd.s32 $0x88, s3;
	s6 =	simm.s32 @!p1 $0x1082;
	[sflag:s4] =	ssyncset.s32 $0xFFFFF086  }
0x25: {  	[simem:s6], [sflag:s4] =	dma.local [hbm:s3], $0xF7A  }
0x26: {  	[smem:$0x3F9C] =	sst s1;
	(tag) =	ssettag s2;
	_ =	strace s9  }
0x27: {  	s1 =	sld [smem:$0x3FAC]  }
0x28: {  	s2 =	sld [smem:$0x3FAD]  }
0x29: {  	s4 =	sld [smem:$0x3FAF]  }
0x2a: {  	p0 =	seq.s32 s5, $0x0;
	s5 =	sld [smem:$0x3FB0]  }
0x2b: {  	s6 =	sld [smem:$0x3FB1]  }
0x2c: {  	s7 =	sld [smem:$0x3FB2]  }
0x2d: {  	s3 =	simm.s32 $0x108;
	s8 =	sld [smem:$0x3FB3]  }
0x2e: {  	s3 =	simm.s32 @!p0 $0x1082;
	s9 =	sld [smem:$0x3FB4]  }
0x2f: {  	lr =	sadd.s32 s0, s3;
	s0 =	sld [smem:$0x3FAB]  }
0x30: {  	s3 =	sld [smem:$0x3FAE]  }
0x31: {  	[smem:$0x3FB7] =	sst s10  }
0x32: {  	s10 =	sld [smem:$0x3FB5];
	_ =	sdelay $0x3  }
0x33: {  	p0 =	seq.s32 s10, $0x1;
	s10 =	sld [smem:$0x3FB7];
	_ =	sdelay $0x3  }
0x34: {  	[smem:$0x3FB7] =	sst s10  }
0x35: {  	s10 =	sld [smem:$0x3FB6];
	_ =	sdelay $0x3  }
0x36: {  	p1 =	seq.s32 s10, $0x1;
	s10 =	sld [smem:$0x3FB7];
	_ =	sdelay $0x3  }
0x37: {  	[smem:$0x3FB7] =	sst s10  }
0x38: {  	s10 =	sld [smem:$0x3FB8]  }
0x39: {  	_ = 	snop;
	(pc) =	sbr.ind lr, $3  }
0x3a: {  	_ = 	snop  }
0x3b: {  	_ = 	snop  }
0x3c: {  	p2 =	seq.s32 s10, $0x1;
	s10 =	sld [smem:$0x3FB7]  }
0x3d: {  	_ =	shalt  }
0x3e: {  	_ =	shalt  }
0x3f: {  	_ =	shalt  }
0x40: {  	_ =	shalt  }
0x41: {  	_ =	shalt  }
0x42: {  	_ =	shalt  }
0x43: {  	_ =	shalt  }
0x44: {  	_ =	shalt  }
0x45: {  	_ =	shalt  }
0x46: {  	_ =	shalt  }
0x47: {  	_ =	shalt  }
0x48: {  	_ =	shalt  }
0x49: {  	_ =	shalt  }
0x4a: {  	_ =	shalt  }
0x4b: {  	_ =	shalt  }
0x4c: {  	_ =	shalt  }
0x4d: {  	_ =	shalt  }
0x4e: {  	_ =	shalt  }
0x4f: {  	_ =	shalt  }
0x50: {  	_ =	shalt  }
0x51: {  	_ =	shalt  }
0x52: {  	_ =	shalt  }
0x53: {  	_ =	shalt  }
0x54: {  	_ =	shalt  }
0x55: {  	_ =	shalt  }
0x56: {  	_ =	shalt  }
0x57: {  	_ =	shalt  }
0x58: {  	_ =	shalt  }
0x59: {  	_ =	shalt  }
0x5a: {  	_ =	shalt  }
0x5b: {  	_ =	shalt  }
0x5c: {  	_ =	shalt  }
0x5d: {  	_ =	shalt  }
0x5e: {  	_ =	shalt  }
0x5f: {  	_ =	shalt  }
0x60: {  	_ =	shalt  }
0x61: {  	_ =	shalt  }
0x62: {  	_ =	shalt  }
0x63: {  	_ =	shalt  }
0x64: {  	_ =	shalt  }
0x65: {  	_ =	shalt  }
0x66: {  	_ =	shalt  }
0x67: {  	_ =	shalt  }
0x68: {  	_ =	shalt  }
0x69: {  	_ =	shalt  }
0x6a: {  	_ =	shalt  }
0x6b: {  	_ =	shalt  }
0x6c: {  	_ =	shalt  }
0x6d: {  	_ =	shalt  }
0x6e: {  	_ =	shalt  }
0x6f: {  	_ =	shalt  }
0x70: {  	_ =	shalt  }
0x71: {  	_ =	shalt  }
0x72: {  	_ =	shalt  }
0x73: {  	_ =	shalt  }
0x74: {  	_ =	shalt  }
0x75: {  	_ =	shalt  }
0x76: {  	_ =	shalt  }
0x77: {  	_ =	shalt  }
0x78: {  	_ =	shalt  }
0x79: {  	_ =	shalt  }
0x7a: {  	_ =	shalt  }
0x7b: {  	_ =	shalt  }
0x7c: {  	_ =	shalt  }
0x7d: {  	_ =	shalt  }
0x7e: {  	_ =	shalt  }
0x7f: {  	_ =	shalt  }
0x80: {  	_ =	shalt  }
0x81: {  	_ =	shalt  }
0x82: {  	_ =	shalt  }
0x83: {  	_ =	shalt  }
0x84: {  	_ =	shalt  }
0x85: {  	_ =	shalt  }
0x86: {  	_ =	shalt  }
0x87: {  	_ =	shalt  }
.Lfunc_end0:
.L_simem_size_0:
called_computation_lowered:
.L_overlay_start_0:
0x88: {  	s2 =	sld [smem:$0x3FD9]  }
0x89: {  	s3 =	sld [smem:$0x3FFE];
	_ =	sdelay $0x1  }
0x8a: {  	s1 =	srdreg.scid  }
0x8b: {  	s0 =	sand.u32 $0x1, s1  }
0x8c: {  	s14 =	sshll.u32 s0, $0xA;
	s2 =	sadd.s32 s3, s2  }
0x8d: {  	s2 =	sadd.s32 s2, s14  }
0x8e: {  	[smem:$0x3FC3] =	sst s2  }
0x8f: {  	_ = 	snop  }
0x90: {  	s2 =	sld [smem:$0x3FD0];
	_ =	sdelay $0x2  }
0x91: {  	s15 =	simm.s32 $0xA;
	s4 =	simm.s32 $0x10  }
0x92: {  	[smem:s4], [sflag:s15] =	dma.local [hbm:s2], $0x1  }
0x93: {  	_ =	swait.eq [sflag:s15], $0x1  }
0x94: {  	[sflag:s15] =	ssyncset.done $0x0  }
0x95: {  	[sflag:s15] =	ssyncadd.s32 $0xFFFFFFFF  }
0x96: {  	s16 =	sld [smem:$0x10];
	(tm) =	ssettm $0x1  }
0x97: {  	s17 =	sld [smem:$0x3FFB];
	_ =	sdelay $0x3  }
0x98: {  	_ =	strace s17  }
0x99: {  	s3 =	sld [smem:$0x3FFC];
	_ =	sdelay $0x3  }
0x9a: {  	_ =	strace s3  }
0x9b: {  	s3 =	sld [smem:$0x3FFD];
	_ =	sdelay $0x3  }
0x9c: {  	_ =	strace s3  }
0x9d: {  	_ =	strace $0x8FFFFFFF  }
0x9e: {  	s18 =	sld [smem:$0x3FDB];
	_ =	sdelay $0x1  }
0x9f: {  	s19 =	simm.s32 $_scs_section_size  }
0xa0: {  	s5 =	simm.s32 $_size__tile_overlayer_lowered;
	s6 =	simm.s32 $_tile_overlayer_lowered  }
0xa1: {  	s22 =	simm.s32 $0x1BFF;
	s21 =	sshll.u32 s6, $0x1;
	s3 =	sadd.s32 s19, s18  }
0xa2: {  	s7 =	simm.s32 $0x0;
	s20 =	sshll.u32 s5, $0x1;
	s5 =	sadd.s32 s21, s3  }
0xa3: {  	[timem:s7], [sflag:s22] =	dma.local [hbm:s5], s20  }
0xa4: {  	_ =	swait.ge [sflag:s22], s20  }
0xa5: {  	s4 =	ssub.s32 $0x0, s20;
	[sflag:s22] =	ssyncset.done $0x0  }
0xa6: {  	[sflag:s22] =	ssyncadd.s32 s4;
	_ =	sdelay $0x1  }
0xa7: {  	s23 =	simm.s32 $0x1B8B  }
0xa8: {  	_ =	swait.ge [sflag:s23], $0x1  }
0xa9: {  	[sflag:s23] =	ssyncset.done $0x0  }
0xaa: {  	s25 =	simm.s32 $0x1B8E;
	s24 =	sld [smem:$0x3FFE];
	[sflag:s23] =	ssyncadd.s32 $0xFFFFFFFF  }
0xab: {  	s26 =	simm.s32 $execute0_lowered;
	[smem:$0x3FD2] =	sst s25  }
0xac: {  	s5 =	sshll.u32 s26, $0x1;
	_ =	strace $0x80000046;
	[dreg:$0x1] =	wrdreg $0xFFFFFFFF  }
0xad: {  	s28 =	simm.s32 $_size_execute0_lowered;
	s3 =	sadd.s32 s3, s5;
	[dreg:$0x0] =	wrdreg $0x0  }
0xae: {  	s5 =	sshll.u32 s28, $0x1;
	[dreg:$0x2] =	wrdreg s3  }
0xaf: {  	[dreg:$0x3] =	wrdreg s5  }
0xb0: {  	[dreg:$0x4] =	wrdreg $0xC0  }
0xb1: {  	_ =	task [dreg:s7], $0x5FFFF  }
0xb2: {  	[dreg:$0x1] =	wrdreg $0xFFFFFFFF  }
0xb3: {  	[dreg:$0x0] =	wrdreg $0x60  }
0xb4: {  	[dreg:$0x2] =	wrdreg s24  }
0xb5: {  	[dreg:$0x3] =	wrdreg s16  }
0xb6: {  	[dreg:$0x4] =	wrdreg $0x9  }
0xb7: {  	_ =	task.clear_ibuf [dreg:s7], $0x5FFFF;
	_ =	strace $0x90000046  }
0xb8: {  	s29 =	simm.s32 $0x9;
	_ =	strace $0x80000048  }
0xb9: {  	_ =	swait.ge [sflag:s29], $0x1  }
0xba: {  	[sflag:s29] =	ssyncadd.s32 $0xFFFFFFFF  }
0xbb: {  	_ =	strace $0x90000048  }
0xbc: {  	_ =	sfence  }
0xbd: {  	s30 =	sld [smem:$0x0];
	_ =	sdelay $0x2  }
0xbe: {  	s31 =	sshll.u32 s1, $0xD;
	s1 =	sshrl.u32 s1, $0x2  }
0xbf: {  	s3 =	sand.u32 $0x4000, s31;
	s1 =	sadd.s32 s1, s30  }
0xc0: {  	s0 =	sor.u32 s3, s0;
	s1 =	sshll.u32 s1, $0x11  }
0xc1: {  	s0 =	sor.u32 s1, s0  }
0xc2: {  	s0 =	sadd.s32 $0x8F2B, s0  }
0xc3: {  	[sflag:s0] =	ssyncadd.remote.s32 $0x1  }
0xc4: {  	_ =	sfence.sel $0xFFFF  }
0xc5: {  	[dreg:$0x0] =	wrdreg $0xFFFFFFFF;
	(pc) =	sbr.abs _section_cstart, $3  }
0xc6: {  	[dreg:$0x1] =	wrdreg $0xFFFFFFFF  }
0xc7: {  	_ =	task.clear_ibuf [dreg:s7], $0x2FFFF;
	_ =	strace $0x9FFFFFFF  }
0xc8: {  	(tm) =	ssettm $0x7FFFFFFF  }
0xc9: {  	_ =	shalt  }
tec
execute0_lowered:
.L_overlay_start_1:
0x0: {  	(tag) =	ssettag $0x1  }
0x1: {  	s4 =	rddreg [dreg:$0x0]  }
0x2: {  	s5 =	rddreg [dreg:$0x1]  }
0x3: {  	s0 =	rddreg [dreg:$0x2];
	s2 =	simm.s32 $0x0  }
0x4: {  	s1 =	stileid.u32;
	s3 =	srdreg.scid;
	s11 =	simm.s32 $0x0  }
0x5: {  	[smem:$0x7FF] =	sst s2;
	s6 =	sshll.u32 s1, $0x10;
	s7 =	sand.u32 $0x1, s3  }
0x6: {  	s3 =	sadd.s32 $0x80000, s4;
	s9 =	sshll.u32 s1, $0x9;
	_ =	strace $0x80000047  }
0x7: {  	s6 =	sadd.s32 s6, s4;
	s30 =	ssub.s32 $0x2, s7;
	s10 =	sshll.u32 s7, $0x8  }
0x8: {  	s7 =	sshll.u32 s7, $0xF;
	s8 =	sshrl.u32 s30, $0x1;
	s31 =	sor.u32 s10, s9  }
0x9: {  	s6 =	sadd.s32 s7, s6;
	s7 =	simm.s32 $0x2;
	s9 =	simm.s32 $0x800  }
0xa: {  	s10 =	simm.s32 $0x1;
	s8 =	ssub.s32 s30, s8;
	s4 =	sadd.s32 s5, s31  }
0xb: {  	s6 =	sadd.s32 $0x100000, s6;
	s5 =	smax.u32 s8, $0x1;
	s8 =	simm.s32 $0x80  }
.LBB2_1:
0xc: {  	[tilespmem:s2], [sflag:$0x2] =	stream.linear.gather [hbm4b:s4+s2], $0x800, $0x38;
	[tilespmem:$0x4800] =	vst v63  }
0xd: {  	_ =	swait.ge [sflag:s7], $0x800  }
0xe: {  	[sflag:s7] =	ssyncset.done $0x0  }
0xf: {  	s12 =	simm.s32 $0x0;
	[sflag:s7] =	ssyncadd.s32 $0xFFFFF800  }
0x10: {  	[tilespmem:s9], [sflag:$0x1] =	stream.indirect.gather [hbm4b:s3+s8], $0x80, s12, s8, $0xb8;
	[tilespmem:$0x4800] =	vst v63  }
0x11: {  	_ =	swait.ge [sflag:s10], $0x4000  }
0x12: {  	[sflag:s10] =	ssyncset.done $0x0  }
0x13: {  	[sflag:s10] =	ssyncadd.s32 $0xFFFFC000  }
0x14: {  	[hbm4b:s6+s2] =	stream.linear.scatter [tilespmem:s9], [sflag:$0x2], $0x4000, $0x38;
	[tilespmem:$0x4800] =	vst v63  }
0x15: {  	s13 =	simm.s32 $0x200;
	_ =	swait.ge [sflag:s7], $0x4000  }
0x16: {  	s14 =	simm.s32 $0x400;
	s12 =	sadd.s32 $0x800, s6;
	[sflag:s7] =	ssyncset.done $0x0  }
.LBB2_2:
0x17: {  	s15 =	sshra.s32 s13, $0x2  }
0x18: {  	[sflag:s7] =	ssyncadd.s32 $0xFFFFC000;
	s13 =	smov.u32 s14;
	s16 =	sadd.s32 $0x200, s14  }
0x19: {  	[tilespmem:s9], [sflag:$0x1] =	stream.indirect.gather [hbm4b:s3+s8], $0x80, s15, s8, $0xb8;
	[tilespmem:$0x4800] =	vst v63  }
0x1a: {  	p0 =	sne.s32 s14, $0x1E00;
	_ =	swait.ge [sflag:s10], $0x4000  }
.Ltmp0:
0x1b: {  	[sflag:s10] =	ssyncset.done $0x0;
	(pc) =	sbr.rel @p0 .LBB2_2-.Ltmp0, $4  }
0x1c: {  	[sflag:s10] =	ssyncadd.s32 $0xFFFFC000  }
0x1d: {  	[hbm4b:s12+s2] =	stream.linear.scatter [tilespmem:s9], [sflag:$0x2], $0x4000, $0x38;
	[tilespmem:$0x4800] =	vst v63  }
0x1e: {  	_ =	swait.ge [sflag:s7], $0x4000  }
0x1f: {  	s14 =	smov.u32 s16;
	s12 =	sadd.s32 $0x800, s12;
	[sflag:s7] =	ssyncset.done $0x0  }
0x20: {  	s13 =	sshra.s32 s13, $0x2;
	[sflag:s7] =	ssyncadd.s32 $0xFFFFC000  }
0x21: {  	[tilespmem:s9], [sflag:$0x1] =	stream.indirect.gather [hbm4b:s3+s8], $0x80, s13, s8, $0xb8;
	[tilespmem:$0x4800] =	vst v63  }
0x22: {  	s11 =	sadd.s32 $0x1, s11;
	_ =	swait.ge [sflag:s10], $0x4000  }
0x23: {  	p0 =	sne.s32 s11, s5;
	[sflag:s10] =	ssyncset.done $0x0  }
.Ltmp1:
0x24: {  	[sflag:s10] =	ssyncadd.s32 $0xFFFFC000;
	(pc) =	sbr.rel @p0 .LBB2_1-.Ltmp1, $4  }
0x25: {  	[hbm4b:s12+s2] =	stream.linear.scatter [tilespmem:s9], [sflag:$0x2], $0x4000, $0x38;
	[tilespmem:$0x4800] =	vst v63  }
0x26: {  	_ =	swait.ge [sflag:s7], $0x4000  }
0x27: {  	[sflag:s7] =	ssyncset.done $0x0  }
0x28: {  	[sflag:s7] =	ssyncadd.s32 $0xFFFFC000  }
0x29: {  	_ =	sfence.sel $0x180000  }
0x2a: {  	[bflag:$0x0] =	sbarrier.arrive $0xFFFF  }
0x2b: {  	p0 =	sne.s32 s1, $0x0;
	_ =	strace $0x90000047  }
0x2c: {  	s0 =	sadd.s32 @!p0 $0x100000, s0;
	[bflag:$0x2] =	sbarrier.arrive $0xFFFF  }
0x2d: {  	[sflag:s0] =	ssyncadd.tile.s32 @!p0 $0x1;
	_ =	shalt  }
.Lfunc_end2:
_tile_overlayer_lowered:
.L_overlay_start_2:
0x2e: {  	(tag) =	ssettag $0x2  }
0x2f: {  	s0 =	rddreg [dreg:$0x0];
	s2 =	stileid.u32  }
0x30: {  	s1 =	rddreg [dreg:$0x1];
	p0 =	sne.s32 s2, $0x0  }
0x31: {  	s3 =	rddreg [dreg:$0x2];
	[bflag:$0x3] =	sbarrier.arrive $0xFFFF;
	s2 =	simm.s32 @!p0 $0x1C02  }
0x32: {  	[timem:s3], [sflag:s2] =	dma.local @!p0 [hbm:s0], s1  }
0x33: {  	s0 =	simm.s32 @!p0 $0x2  }
0x34: {  	_ =	swait.ge @!p0 [sflag:s0], s1  }
0x35: {  	s1 =	ssub.s32 @!p0 $0x0, s1;
	[sflag:s0] =	ssyncset.done @!p0 $0x0  }
0x36: {  	[sflag:s0] =	ssyncadd.s32 @!p0 s1  }
0x37: {  	[bflag:$0x3] =	sbarrier.arrive $0xFFFF  }
0x38: {  	_ =	shalt  }

</sc_bundles>
